<compile_context>
chip_gen: v7x
topology: tpu7x:2x2x1
jax: 0.10.2.dev20260603
libtpu: 0.0.44.dev20260713+nightly
codegen_flags: <defaults>
</compile_context>

<pallas_src>
import functools

import jax
import jax.numpy as jnp
from jax import lax
from jax.experimental import pallas as pl
from jax.experimental.pallas import tpu as pltpu
from jax.experimental.pallas import tpu_sc as plsc

NUM_CORES = 2
NUM_SUBCORES = 16
NW = NUM_CORES * NUM_SUBCORES
CHUNK = 16
DEPTH = 7
LAG = 4


@functools.lru_cache(maxsize=None)
def _build(N, D, V):
    NI = N // NW
    NCH = NI // CHUNK

    mesh = plsc.VectorSubcoreMesh(
        core_axis_name="c", subcore_axis_name="s",
        num_cores=NUM_CORES, num_subcores=NUM_SUBCORES,
    )

    @functools.partial(
        pl.kernel,
        out_type=jax.ShapeDtypeStruct((N, D), jnp.float32),
        mesh=mesh,
        compiler_params=pltpu.CompilerParams(needs_layout_passes=False),
        scratch_types=(
            [pltpu.VMEM((NI,), jnp.int32)]
            + [pltpu.VMEM((CHUNK, D), jnp.float32) for _ in range(DEPTH)]
            + [pltpu.SemaphoreType.DMA for _ in range(2 * DEPTH)]
        ),
    )
    def run(x_hbm, wt_hbm, out_hbm, xl_v, *bufs_and_sems):
        rows = list(bufs_and_sems[:DEPTH])
        sg = list(bufs_and_sems[DEPTH:2 * DEPTH])
        so = list(bufs_and_sems[2 * DEPTH:])
        c = lax.axis_index("c")
        s = lax.axis_index("s")
        wid = s * NUM_CORES + c
        i0 = wid * NI

        pltpu.sync_copy(x_hbm.at[pl.ds(i0, NI)], xl_v)

        def idx_slice(ch):
            return xl_v.at[pl.ds(ch * CHUNK, CHUNK)]

        def start_gather(ch, rows_ref, sem):
            pltpu.async_copy(wt_hbm.at[idx_slice(ch)], rows_ref, sem)

        def wait_gather(ch, rows_ref, sem):
            pltpu.make_async_copy(wt_hbm.at[idx_slice(ch)], rows_ref, sem).wait()

        def out_slice(ch):
            return out_hbm.at[pl.ds(i0 + ch * CHUNK, CHUNK), :]

        def start_out(rows_ref, ch, sem):
            pltpu.async_copy(rows_ref, out_slice(ch), sem)

        def wait_out(rows_ref, ch, sem):
            pltpu.make_async_copy(rows_ref, out_slice(ch), sem).wait()

        for ch in range(NCH):
            b = ch % DEPTH
            if ch >= DEPTH:
                wait_out(rows[b], ch - DEPTH, so[b])
            start_gather(ch, rows[b], sg[b])
            if ch >= LAG:
                b2 = (ch - LAG) % DEPTH
                wait_gather(ch - LAG, rows[b2], sg[b2])
                start_out(rows[b2], ch - LAG, so[b2])
        for ch in range(NCH - LAG, NCH):
            b = ch % DEPTH
            wait_gather(ch, rows[b], sg[b])
            start_out(rows[b], ch, so[b])
        for ch in range(NCH - DEPTH, NCH):
            b = ch % DEPTH
            wait_out(rows[b], ch, so[b])

    return run


def kernel(x, W_E):
    B, S = x.shape
    D, V = W_E.shape
    N = B * S
    x_flat = x.reshape(N).astype(jnp.int32)
    wt = W_E.T
    out = _build(N, D, V)(x_flat, wt)
    return out.reshape(B, S, D)

# --- scband reference (transcript-rebuilt; emitter-appended) ---
"""Pipeline reference for scband-embed-2044404433442 (READ-ONLY COPY).

The authoritative reference and input builder live on the scoring server;
editing this copy changes nothing except your own understanding.
"""

import jax, jax.numpy as jnp
import numpy as np

D_VOCAB = 100000
D_MODEL = 1024
BATCH = 4
SEQ = 2048

def setup_inputs(seed: int = 0) -> dict:
    key = jax.random.key(seed)
    k1, k2 = jax.random.split(key)
    x = jax.random.randint(k1, (BATCH, SEQ), 0, D_VOCAB, dtype=jnp.int64 if jax.config.jax_enable_x64 else jnp.int32)
    W_E = jax.random.normal(k2, (D_MODEL, D_VOCAB), dtype=jnp.float32) / np.sqrt(D_MODEL)
    return {"x": x, "W_E": W_E}

def reference(x, W_E):
    # torch: einsum('dbp -> bpd', W_E[:, x])
    # W_E[:, x] -> [d_model, batch, pos]; transpose to [batch, pos, d_model]
    gathered = jnp.take(W_E, x, axis=1)  # [d, b, p]
    return jnp.transpose(gathered, (1, 2, 0))  # [b, p, d]

if __name__ == "__main__":
    import jax
    _d = setup_inputs()
    print(jax.jit(kernel)(*tuple(_d.values())))

</pallas_src>

<mosaic_0001>
#map = affine_map<(d0, d1) -> (0)>
#map1 = affine_map<(d0, d1) -> (0, 0)>
module attributes {stable_mosaic.version = 14 : i64} {
  func.func @run(%arg0: i32, %arg1: i32, %arg2: memref<8192xi32, #tpu.memory_space<hbm>>, %arg3: memref<100000x1024xf32, #tpu.memory_space<hbm>>, %arg4: memref<8192x1024xf32, #tpu.memory_space<hbm>>, %arg5: memref<256xi32, #tpu.memory_space<vmem>>, %arg6: memref<16x1024xf32, #tpu.memory_space<vmem>>, %arg7: memref<16x1024xf32, #tpu.memory_space<vmem>>, %arg8: memref<16x1024xf32, #tpu.memory_space<vmem>>, %arg9: memref<16x1024xf32, #tpu.memory_space<vmem>>, %arg10: memref<16x1024xf32, #tpu.memory_space<vmem>>, %arg11: memref<16x1024xf32, #tpu.memory_space<vmem>>, %arg12: memref<16x1024xf32, #tpu.memory_space<vmem>>, %arg13: memref<!tpu.dma_semaphore, #tpu.memory_space<semaphore_mem>>, %arg14: memref<!tpu.dma_semaphore, #tpu.memory_space<semaphore_mem>>, %arg15: memref<!tpu.dma_semaphore, #tpu.memory_space<semaphore_mem>>, %arg16: memref<!tpu.dma_semaphore, #tpu.memory_space<semaphore_mem>>, %arg17: memref<!tpu.dma_semaphore, #tpu.memory_space<semaphore_mem>>, %arg18: memref<!tpu.dma_semaphore, #tpu.memory_space<semaphore_mem>>, %arg19: memref<!tpu.dma_semaphore, #tpu.memory_space<semaphore_mem>>, %arg20: memref<!tpu.dma_semaphore, #tpu.memory_space<semaphore_mem>>, %arg21: memref<!tpu.dma_semaphore, #tpu.memory_space<semaphore_mem>>, %arg22: memref<!tpu.dma_semaphore, #tpu.memory_space<semaphore_mem>>, %arg23: memref<!tpu.dma_semaphore, #tpu.memory_space<semaphore_mem>>, %arg24: memref<!tpu.dma_semaphore, #tpu.memory_space<semaphore_mem>>, %arg25: memref<!tpu.dma_semaphore, #tpu.memory_space<semaphore_mem>>, %arg26: memref<!tpu.dma_semaphore, #tpu.memory_space<semaphore_mem>>) attributes {dimension_semantics = [#tpu.dimension_semantics<core_parallel>, #tpu.dimension_semantics<subcore_parallel>], iteration_bounds = array<i64: 2, 16>, scalar_prefetch = 0 : i64, scratch_operands = 22 : i64, tpu.core_type = #tpu.core_type<sc_vector_subcore>, window_params = [{transform_indices = #map}, {transform_indices = #map1}, {transform_indices = #map1}]} {
    %mul3A = arith.constant 2 : i32
    %mul3A_0 = arith.muli %arg1, %mul3A : i32
    %add3A = arith.addi %mul3A_0, %arg0 : i32
    %mul3A_1 = arith.constant 256 : i32
    %mul3A_2 = arith.muli %add3A, %mul3A_1 : i32
    "tpu.region"() ({
      %run_scoped3A = tpu.sem_alloc : memref<!tpu.dma_semaphore, #tpu.memory_space<semaphore_mem>>
      %dma_start3A_353 = tpu.memref_slice %arg2[%mul3A_2] : memref<8192xi32, #tpu.memory_space<hbm>> -> memref<256xi32, #tpu.memory_space<hbm>>
      %dma_start3A_354 = tpu.memref_slice %arg2[%mul3A_2] : memref<8192xi32, #tpu.memory_space<hbm>> -> memref<256xi32, #tpu.memory_space<hbm>>
      tpu.enqueue_dma source(%dma_start3A_354 : memref<256xi32, #tpu.memory_space<hbm>>) target(%arg5 : memref<256xi32, #tpu.memory_space<vmem>>) target_semaphore(%run_scoped3A : memref<!tpu.dma_semaphore, #tpu.memory_space<semaphore_mem>>)
      %dma_wait3A_355 = tpu.memref_slice %arg2[%mul3A_2] : memref<8192xi32, #tpu.memory_space<hbm>> -> memref<256xi32, #tpu.memory_space<hbm>>
      %dma_wait3A_356 = tpu.memref_slice %arg2[%mul3A_2] : memref<8192xi32, #tpu.memory_space<hbm>> -> memref<256xi32, #tpu.memory_space<hbm>>
      tpu.wait_dma2 semaphore(%run_scoped3A : memref<!tpu.dma_semaphore, #tpu.memory_space<semaphore_mem>>) src(%dma_wait3A_356 : memref<256xi32, #tpu.memory_space<hbm>>) dst(%arg5 : memref<256xi32, #tpu.memory_space<vmem>>)
      tpu.yield
    }) : () -> ()
    %dma_start3A = arith.constant 0 : i32
    %dma_start3A_3 = tpu.memref_slice %arg5[%dma_start3A] : memref<256xi32, #tpu.memory_space<vmem>> -> memref<16xi32, #tpu.memory_space<vmem>>
    %dma_start3A_4 = arith.constant 0 : i32
    %dma_start3A_5 = arith.constant 0 : i32
    %dma_start3A_6 = tpu.memref_slice %arg3[%dma_start3A_4, %dma_start3A_5] : memref<100000x1024xf32, #tpu.memory_space<hbm>> -> memref<100000x1024xf32, #tpu.memory_space<hbm>>
    tpu.enqueue_indirect_dma source(%dma_start3A_6 : memref<100000x1024xf32, #tpu.memory_space<hbm>>) target(%arg6 : memref<16x1024xf32, #tpu.memory_space<vmem>>) offsets(%dma_start3A_3 : memref<16xi32, #tpu.memory_space<vmem>>) semaphore(%arg13 : memref<!tpu.dma_semaphore, #tpu.memory_space<semaphore_mem>>)
    %dma_start3A_7 = arith.constant 16 : i32
    %dma_start3A_8 = tpu.memref_slice %arg5[%dma_start3A_7] : memref<256xi32, #tpu.memory_space<vmem>> -> memref<16xi32, #tpu.memory_space<vmem>>
    %dma_start3A_9 = arith.constant 0 : i32
    %dma_start3A_10 = arith.constant 0 : i32
    %dma_start3A_11 = tpu.memref_slice %arg3[%dma_start3A_9, %dma_start3A_10] : memref<100000x1024xf32, #tpu.memory_space<hbm>> -> memref<100000x1024xf32, #tpu.memory_space<hbm>>
    tpu.enqueue_indirect_dma source(%dma_start3A_11 : memref<100000x1024xf32, #tpu.memory_space<hbm>>) target(%arg7 : memref<16x1024xf32, #tpu.memory_space<vmem>>) offsets(%dma_start3A_8 : memref<16xi32, #tpu.memory_space<vmem>>) semaphore(%arg14 : memref<!tpu.dma_semaphore, #tpu.memory_space<semaphore_mem>>)
    %dma_start3A_12 = arith.constant 32 : i32
    %dma_start3A_13 = tpu.memref_slice %arg5[%dma_start3A_12] : memref<256xi32, #tpu.memory_space<vmem>> -> memref<16xi32, #tpu.memory_space<vmem>>
    %dma_start3A_14 = arith.constant 0 : i32
    %dma_start3A_15 = arith.constant 0 : i32
    %dma_start3A_16 = tpu.memref_slice %arg3[%dma_start3A_14, %dma_start3A_15] : memref<100000x1024xf32, #tpu.memory_space<hbm>> -> memref<100000x1024xf32, #tpu.memory_space<hbm>>
    tpu.enqueue_indirect_dma source(%dma_start3A_16 : memref<100000x1024xf32, #tpu.memory_space<hbm>>) target(%arg8 : memref<16x1024xf32, #tpu.memory_space<vmem>>) offsets(%dma_start3A_13 : memref<16xi32, #tpu.memory_space<vmem>>) semaphore(%arg15 : memref<!tpu.dma_semaphore, #tpu.memory_space<semaphore_mem>>)
    %dma_start3A_17 = arith.constant 48 : i32
    %dma_start3A_18 = tpu.memref_slice %arg5[%dma_start3A_17] : memref<256xi32, #tpu.memory_space<vmem>> -> memref<16xi32, #tpu.memory_space<vmem>>
    %dma_start3A_19 = arith.constant 0 : i32
    %dma_start3A_20 = arith.constant 0 : i32
    %dma_start3A_21 = tpu.memref_slice %arg3[%dma_start3A_19, %dma_start3A_20] : memref<100000x1024xf32, #tpu.memory_space<hbm>> -> memref<100000x1024xf32, #tpu.memory_space<hbm>>
    tpu.enqueue_indirect_dma source(%dma_start3A_21 : memref<100000x1024xf32, #tpu.memory_space<hbm>>) target(%arg9 : memref<16x1024xf32, #tpu.memory_space<vmem>>) offsets(%dma_start3A_18 : memref<16xi32, #tpu.memory_space<vmem>>) semaphore(%arg16 : memref<!tpu.dma_semaphore, #tpu.memory_space<semaphore_mem>>)
    %dma_start3A_22 = arith.constant 64 : i32
    %dma_start3A_23 = tpu.memref_slice %arg5[%dma_start3A_22] : memref<256xi32, #tpu.memory_space<vmem>> -> memref<16xi32, #tpu.memory_space<vmem>>
    %dma_start3A_24 = arith.constant 0 : i32
    %dma_start3A_25 = arith.constant 0 : i32
    %dma_start3A_26 = tpu.memref_slice %arg3[%dma_start3A_24, %dma_start3A_25] : memref<100000x1024xf32, #tpu.memory_space<hbm>> -> memref<100000x1024xf32, #tpu.memory_space<hbm>>
    tpu.enqueue_indirect_dma source(%dma_start3A_26 : memref<100000x1024xf32, #tpu.memory_space<hbm>>) target(%arg10 : memref<16x1024xf32, #tpu.memory_space<vmem>>) offsets(%dma_start3A_23 : memref<16xi32, #tpu.memory_space<vmem>>) semaphore(%arg17 : memref<!tpu.dma_semaphore, #tpu.memory_space<semaphore_mem>>)
    %dma_wait3A = arith.constant 0 : i32
    %dma_wait3A_27 = tpu.memref_slice %arg5[%dma_wait3A] : memref<256xi32, #tpu.memory_space<vmem>> -> memref<16xi32, #tpu.memory_space<vmem>>
    %dma_wait3A_28 = arith.constant 0 : i32
    %dma_wait3A_29 = arith.constant 0 : i32
    %dma_wait3A_30 = tpu.memref_slice %arg3[%dma_wait3A_28, %dma_wait3A_29] : memref<100000x1024xf32, #tpu.memory_space<hbm>> -> memref<100000x1024xf32, #tpu.memory_space<hbm>>
    tpu.wait_indirect_dma semaphore(%arg13 : memref<!tpu.dma_semaphore, #tpu.memory_space<semaphore_mem>>) src(%dma_wait3A_30 : memref<100000x1024xf32, #tpu.memory_space<hbm>>) dst(%arg6 : memref<16x1024xf32, #tpu.memory_space<vmem>>)
    %add3A_31 = arith.constant 0 : i32
    %add3A_32 = arith.addi %mul3A_2, %add3A_31 : i32
    %dma_start3A_33 = arith.constant 0 : i32
    %dma_start3A_34 = tpu.memref_slice %arg4[%add3A_32, %dma_start3A_33] : memref<8192x1024xf32, #tpu.memory_space<hbm>> -> memref<16x1024xf32, #tpu.memory_space<hbm>>
    %dma_start3A_35 = arith.constant 0 : i32
    %dma_start3A_36 = tpu.memref_slice %arg4[%add3A_32, %dma_start3A_35] : memref<8192x1024xf32, #tpu.memory_space<hbm>> -> memref<16x1024xf32, #tpu.memory_space<hbm>>
    tpu.enqueue_dma source(%arg6 : memref<16x1024xf32, #tpu.memory_space<vmem>>) target(%dma_start3A_36 : memref<16x1024xf32, #tpu.memory_space<hbm>>) target_semaphore(%arg20 : memref<!tpu.dma_semaphore, #tpu.memory_space<semaphore_mem>>)
    %dma_start3A_37 = arith.constant 80 : i32
    %dma_start3A_38 = tpu.memref_slice %arg5[%dma_start3A_37] : memref<256xi32, #tpu.memory_space<vmem>> -> memref<16xi32, #tpu.memory_space<vmem>>
    %dma_start3A_39 = arith.constant 0 : i32
    %dma_start3A_40 = arith.constant 0 : i32
    %dma_start3A_41 = tpu.memref_slice %arg3[%dma_start3A_39, %dma_start3A_40] : memref<100000x1024xf32, #tpu.memory_space<hbm>> -> memref<100000x1024xf32, #tpu.memory_space<hbm>>
    tpu.enqueue_indirect_dma source(%dma_start3A_41 : memref<100000x1024xf32, #tpu.memory_space<hbm>>) target(%arg11 : memref<16x1024xf32, #tpu.memory_space<vmem>>) offsets(%dma_start3A_38 : memref<16xi32, #tpu.memory_space<vmem>>) semaphore(%arg18 : memref<!tpu.dma_semaphore, #tpu.memory_space<semaphore_mem>>)
    %dma_wait3A_42 = arith.constant 16 : i32
    %dma_wait3A_43 = tpu.memref_slice %arg5[%dma_wait3A_42] : memref<256xi32, #tpu.memory_space<vmem>> -> memref<16xi32, #tpu.memory_space<vmem>>
    %dma_wait3A_44 = arith.constant 0 : i32
    %dma_wait3A_45 = arith.constant 0 : i32
    %dma_wait3A_46 = tpu.memref_slice %arg3[%dma_wait3A_44, %dma_wait3A_45] : memref<100000x1024xf32, #tpu.memory_space<hbm>> -> memref<100000x1024xf32, #tpu.memory_space<hbm>>
    tpu.wait_indirect_dma semaphore(%arg14 : memref<!tpu.dma_semaphore, #tpu.memory_space<semaphore_mem>>) src(%dma_wait3A_46 : memref<100000x1024xf32, #tpu.memory_space<hbm>>) dst(%arg7 : memref<16x1024xf32, #tpu.memory_space<vmem>>)
    %add3A_47 = arith.constant 16 : i32
    %add3A_48 = arith.addi %mul3A_2, %add3A_47 : i32
    %dma_start3A_49 = arith.constant 0 : i32
    %dma_start3A_50 = tpu.memref_slice %arg4[%add3A_48, %dma_start3A_49] : memref<8192x1024xf32, #tpu.memory_space<hbm>> -> memref<16x1024xf32, #tpu.memory_space<hbm>>
    %dma_start3A_51 = arith.constant 0 : i32
    %dma_start3A_52 = tpu.memref_slice %arg4[%add3A_48, %dma_start3A_51] : memref<8192x1024xf32, #tpu.memory_space<hbm>> -> memref<16x1024xf32, #tpu.memory_space<hbm>>
    tpu.enqueue_dma source(%arg7 : memref<16x1024xf32, #tpu.memory_space<vmem>>) target(%dma_start3A_52 : memref<16x1024xf32, #tpu.memory_space<hbm>>) target_semaphore(%arg21 : memref<!tpu.dma_semaphore, #tpu.memory_space<semaphore_mem>>)
    %dma_start3A_53 = arith.constant 96 : i32
    %dma_start3A_54 = tpu.memref_slice %arg5[%dma_start3A_53] : memref<256xi32, #tpu.memory_space<vmem>> -> memref<16xi32, #tpu.memory_space<vmem>>
    %dma_start3A_55 = arith.constant 0 : i32
    %dma_start3A_56 = arith.constant 0 : i32
    %dma_start3A_57 = tpu.memref_slice %arg3[%dma_start3A_55, %dma_start3A_56] : memref<100000x1024xf32, #tpu.memory_space<hbm>> -> memref<100000x1024xf32, #tpu.memory_space<hbm>>
    tpu.enqueue_indirect_dma source(%dma_start3A_57 : memref<100000x1024xf32, #tpu.memory_space<hbm>>) target(%arg12 : memref<16x1024xf32, #tpu.memory_space<vmem>>) offsets(%dma_start3A_54 : memref<16xi32, #tpu.memory_space<vmem>>) semaphore(%arg19 : memref<!tpu.dma_semaphore, #tpu.memory_space<semaphore_mem>>)
    %dma_wait3A_58 = arith.constant 32 : i32
    %dma_wait3A_59 = tpu.memref_slice %arg5[%dma_wait3A_58] : memref<256xi32, #tpu.memory_space<vmem>> -> memref<16xi32, #tpu.memory_space<vmem>>
    %dma_wait3A_60 = arith.constant 0 : i32
    %dma_wait3A_61 = arith.constant 0 : i32
    %dma_wait3A_62 = tpu.memref_slice %arg3[%dma_wait3A_60, %dma_wait3A_61] : memref<100000x1024xf32, #tpu.memory_space<hbm>> -> memref<100000x1024xf32, #tpu.memory_space<hbm>>
    tpu.wait_indirect_dma semaphore(%arg15 : memref<!tpu.dma_semaphore, #tpu.memory_space<semaphore_mem>>) src(%dma_wait3A_62 : memref<100000x1024xf32, #tpu.memory_space<hbm>>) dst(%arg8 : memref<16x1024xf32, #tpu.memory_space<vmem>>)
    %add3A_63 = arith.constant 32 : i32
    %add3A_64 = arith.addi %mul3A_2, %add3A_63 : i32
    %dma_start3A_65 = arith.constant 0 : i32
    %dma_start3A_66 = tpu.memref_slice %arg4[%add3A_64, %dma_start3A_65] : memref<8192x1024xf32, #tpu.memory_space<hbm>> -> memref<16x1024xf32, #tpu.memory_space<hbm>>
    %dma_start3A_67 = arith.constant 0 : i32
    %dma_start3A_68 = tpu.memref_slice %arg4[%add3A_64, %dma_start3A_67] : memref<8192x1024xf32, #tpu.memory_space<hbm>> -> memref<16x1024xf32, #tpu.memory_space<hbm>>
    tpu.enqueue_dma source(%arg8 : memref<16x1024xf32, #tpu.memory_space<vmem>>) target(%dma_start3A_68 : memref<16x1024xf32, #tpu.memory_space<hbm>>) target_semaphore(%arg22 : memref<!tpu.dma_semaphore, #tpu.memory_space<semaphore_mem>>)
    %add3A_69 = arith.constant 0 : i32
    %add3A_70 = arith.addi %mul3A_2, %add3A_69 : i32
    %dma_wait3A_71 = arith.constant 0 : i32
    %dma_wait3A_72 = tpu.memref_slice %arg4[%add3A_70, %dma_wait3A_71] : memref<8192x1024xf32, #tpu.memory_space<hbm>> -> memref<16x1024xf32, #tpu.memory_space<hbm>>
    %dma_wait3A_73 = arith.constant 0 : i32
    %dma_wait3A_74 = tpu.memref_slice %arg4[%add3A_70, %dma_wait3A_73] : memref<8192x1024xf32, #tpu.memory_space<hbm>> -> memref<16x1024xf32, #tpu.memory_space<hbm>>
    tpu.wait_dma2 semaphore(%arg20 : memref<!tpu.dma_semaphore, #tpu.memory_space<semaphore_mem>>) src(%arg6 : memref<16x1024xf32, #tpu.memory_space<vmem>>) dst(%dma_wait3A_74 : memref<16x1024xf32, #tpu.memory_space<hbm>>)
    %dma_start3A_75 = arith.constant 112 : i32
    %dma_start3A_76 = tpu.memref_slice %arg5[%dma_start3A_75] : memref<256xi32, #tpu.memory_space<vmem>> -> memref<16xi32, #tpu.memory_space<vmem>>
    %dma_start3A_77 = arith.constant 0 : i32
    %dma_start3A_78 = arith.constant 0 : i32
    %dma_start3A_79 = tpu.memref_slice %arg3[%dma_start3A_77, %dma_start3A_78] : memref<100000x1024xf32, #tpu.memory_space<hbm>> -> memref<100000x1024xf32, #tpu.memory_space<hbm>>
    tpu.enqueue_indirect_dma source(%dma_start3A_79 : memref<100000x1024xf32, #tpu.memory_space<hbm>>) target(%arg6 : memref<16x1024xf32, #tpu.memory_space<vmem>>) offsets(%dma_start3A_76 : memref<16xi32, #tpu.memory_space<vmem>>) semaphore(%arg13 : memref<!tpu.dma_semaphore, #tpu.memory_space<semaphore_mem>>)
    %dma_wait3A_80 = arith.constant 48 : i32
    %dma_wait3A_81 = tpu.memref_slice %arg5[%dma_wait3A_80] : memref<256xi32, #tpu.memory_space<vmem>> -> memref<16xi32, #tpu.memory_space<vmem>>
    %dma_wait3A_82 = arith.constant 0 : i32
    %dma_wait3A_83 = arith.constant 0 : i32
    %dma_wait3A_84 = tpu.memref_slice %arg3[%dma_wait3A_82, %dma_wait3A_83] : memref<100000x1024xf32, #tpu.memory_space<hbm>> -> memref<100000x1024xf32, #tpu.memory_space<hbm>>
    tpu.wait_indirect_dma semaphore(%arg16 : memref<!tpu.dma_semaphore, #tpu.memory_space<semaphore_mem>>) src(%dma_wait3A_84 : memref<100000x1024xf32, #tpu.memory_space<hbm>>) dst(%arg9 : memref<16x1024xf32, #tpu.memory_space<vmem>>)
    %add3A_85 = arith.constant 48 : i32
    %add3A_86 = arith.addi %mul3A_2, %add3A_85 : i32
    %dma_start3A_87 = arith.constant 0 : i32
    %dma_start3A_88 = tpu.memref_slice %arg4[%add3A_86, %dma_start3A_87] : memref<8192x1024xf32, #tpu.memory_space<hbm>> -> memref<16x1024xf32, #tpu.memory_space<hbm>>
    %dma_start3A_89 = arith.constant 0 : i32
    %dma_start3A_90 = tpu.memref_slice %arg4[%add3A_86, %dma_start3A_89] : memref<8192x1024xf32, #tpu.memory_space<hbm>> -> memref<16x1024xf32, #tpu.memory_space<hbm>>
    tpu.enqueue_dma source(%arg9 : memref<16x1024xf32, #tpu.memory_space<vmem>>) target(%dma_start3A_90 : memref<16x1024xf32, #tpu.memory_space<hbm>>) target_semaphore(%arg23 : memref<!tpu.dma_semaphore, #tpu.memory_space<semaphore_mem>>)
    %add3A_91 = arith.constant 16 : i32
    %add3A_92 = arith.addi %mul3A_2, %add3A_91 : i32
    %dma_wait3A_93 = arith.constant 0 : i32
    %dma_wait3A_94 = tpu.memref_slice %arg4[%add3A_92, %dma_wait3A_93] : memref<8192x1024xf32, #tpu.memory_space<hbm>> -> memref<16x1024xf32, #tpu.memory_space<hbm>>
    %dma_wait3A_95 = arith.constant 0 : i32
    %dma_wait3A_96 = tpu.memref_slice %arg4[%add3A_92, %dma_wait3A_95] : memref<8192x1024xf32, #tpu.memory_space<hbm>> -> memref<16x1024xf32, #tpu.memory_space<hbm>>
    tpu.wait_dma2 semaphore(%arg21 : memref<!tpu.dma_semaphore, #tpu.memory_space<semaphore_mem>>) src(%arg7 : memref<16x1024xf32, #tpu.memory_space<vmem>>) dst(%dma_wait3A_96 : memref<16x1024xf32, #tpu.memory_space<hbm>>)
    %dma_start3A_97 = arith.constant 128 : i32
    %dma_start3A_98 = tpu.memref_slice %arg5[%dma_start3A_97] : memref<256xi32, #tpu.memory_space<vmem>> -> memref<16xi32, #tpu.memory_space<vmem>>
    %dma_start3A_99 = arith.constant 0 : i32
    %dma_start3A_100 = arith.constant 0 : i32
    %dma_start3A_101 = tpu.memref_slice %arg3[%dma_start3A_99, %dma_start3A_100] : memref<100000x1024xf32, #tpu.memory_space<hbm>> -> memref<100000x1024xf32, #tpu.memory_space<hbm>>
    tpu.enqueue_indirect_dma source(%dma_start3A_101 : memref<100000x1024xf32, #tpu.memory_space<hbm>>) target(%arg7 : memref<16x1024xf32, #tpu.memory_space<vmem>>) offsets(%dma_start3A_98 : memref<16xi32, #tpu.memory_space<vmem>>) semaphore(%arg14 : memref<!tpu.dma_semaphore, #tpu.memory_space<semaphore_mem>>)
    %dma_wait3A_102 = arith.constant 64 : i32
    %dma_wait3A_103 = tpu.memref_slice %arg5[%dma_wait3A_102] : memref<256xi32, #tpu.memory_space<vmem>> -> memref<16xi32, #tpu.memory_space<vmem>>
    %dma_wait3A_104 = arith.constant 0 : i32
    %dma_wait3A_105 = arith.constant 0 : i32
    %dma_wait3A_106 = tpu.memref_slice %arg3[%dma_wait3A_104, %dma_wait3A_105] : memref<100000x1024xf32, #tpu.memory_space<hbm>> -> memref<100000x1024xf32, #tpu.memory_space<hbm>>
    tpu.wait_indirect_dma semaphore(%arg17 : memref<!tpu.dma_semaphore, #tpu.memory_space<semaphore_mem>>) src(%dma_wait3A_106 : memref<100000x1024xf32, #tpu.memory_space<hbm>>) dst(%arg10 : memref<16x1024xf32, #tpu.memory_space<vmem>>)
    %add3A_107 = arith.constant 64 : i32
    %add3A_108 = arith.addi %mul3A_2, %add3A_107 : i32
    %dma_start3A_109 = arith.constant 0 : i32
    %dma_start3A_110 = tpu.memref_slice %arg4[%add3A_108, %dma_start3A_109] : memref<8192x1024xf32, #tpu.memory_space<hbm>> -> memref<16x1024xf32, #tpu.memory_space<hbm>>
    %dma_start3A_111 = arith.constant 0 : i32
    %dma_start3A_112 = tpu.memref_slice %arg4[%add3A_108, %dma_start3A_111] : memref<8192x1024xf32, #tpu.memory_space<hbm>> -> memref<16x1024xf32, #tpu.memory_space<hbm>>
    tpu.enqueue_dma source(%arg10 : memref<16x1024xf32, #tpu.memory_space<vmem>>) target(%dma_start3A_112 : memref<16x1024xf32, #tpu.memory_space<hbm>>) target_semaphore(%arg24 : memref<!tpu.dma_semaphore, #tpu.memory_space<semaphore_mem>>)
    %add3A_113 = arith.constant 32 : i32
    %add3A_114 = arith.addi %mul3A_2, %add3A_113 : i32
    %dma_wait3A_115 = arith.constant 0 : i32
    %dma_wait3A_116 = tpu.memref_slice %arg4[%add3A_114, %dma_wait3A_115] : memref<8192x1024xf32, #tpu.memory_space<hbm>> -> memref<16x1024xf32, #tpu.memory_space<hbm>>
    %dma_wait3A_117 = arith.constant 0 : i32
    %dma_wait3A_118 = tpu.memref_slice %arg4[%add3A_114, %dma_wait3A_117] : memref<8192x1024xf32, #tpu.memory_space<hbm>> -> memref<16x1024xf32, #tpu.memory_space<hbm>>
    tpu.wait_dma2 semaphore(%arg22 : memref<!tpu.dma_semaphore, #tpu.memory_space<semaphore_mem>>) src(%arg8 : memref<16x1024xf32, #tpu.memory_space<vmem>>) dst(%dma_wait3A_118 : memref<16x1024xf32, #tpu.memory_space<hbm>>)
    %dma_start3A_119 = arith.constant 144 : i32
    %dma_start3A_120 = tpu.memref_slice %arg5[%dma_start3A_119] : memref<256xi32, #tpu.memory_space<vmem>> -> memref<16xi32, #tpu.memory_space<vmem>>
    %dma_start3A_121 = arith.constant 0 : i32
    %dma_start3A_122 = arith.constant 0 : i32
    %dma_start3A_123 = tpu.memref_slice %arg3[%dma_start3A_121, %dma_start3A_122] : memref<100000x1024xf32, #tpu.memory_space<hbm>> -> memref<100000x1024xf32, #tpu.memory_space<hbm>>
    tpu.enqueue_indirect_dma source(%dma_start3A_123 : memref<100000x1024xf32, #tpu.memory_space<hbm>>) target(%arg8 : memref<16x1024xf32, #tpu.memory_space<vmem>>) offsets(%dma_start3A_120 : memref<16xi32, #tpu.memory_space<vmem>>) semaphore(%arg15 : memref<!tpu.dma_semaphore, #tpu.memory_space<semaphore_mem>>)
    %dma_wait3A_124 = arith.constant 80 : i32
    %dma_wait3A_125 = tpu.memref_slice %arg5[%dma_wait3A_124] : memref<256xi32, #tpu.memory_space<vmem>> -> memref<16xi32, #tpu.memory_space<vmem>>
    %dma_wait3A_126 = arith.constant 0 : i32
    %dma_wait3A_127 = arith.constant 0 : i32
    %dma_wait3A_128 = tpu.memref_slice %arg3[%dma_wait3A_126, %dma_wait3A_127] : memref<100000x1024xf32, #tpu.memory_space<hbm>> -> memref<100000x1024xf32, #tpu.memory_space<hbm>>
    tpu.wait_indirect_dma semaphore(%arg18 : memref<!tpu.dma_semaphore, #tpu.memory_space<semaphore_mem>>) src(%dma_wait3A_128 : memref<100000x1024xf32, #tpu.memory_space<hbm>>) dst(%arg11 : memref<16x1024xf32, #tpu.memory_space<vmem>>)
    %add3A_129 = arith.constant 80 : i32
    %add3A_130 = arith.addi %mul3A_2, %add3A_129 : i32
    %dma_start3A_131 = arith.constant 0 : i32
    %dma_start3A_132 = tpu.memref_slice %arg4[%add3A_130, %dma_start3A_131] : memref<8192x1024xf32, #tpu.memory_space<hbm>> -> memref<16x1024xf32, #tpu.memory_space<hbm>>
    %dma_start3A_133 = arith.constant 0 : i32
    %dma_start3A_134 = tpu.memref_slice %arg4[%add3A_130, %dma_start3A_133] : memref<8192x1024xf32, #tpu.memory_space<hbm>> -> memref<16x1024xf32, #tpu.memory_space<hbm>>
    tpu.enqueue_dma source(%arg11 : memref<16x1024xf32, #tpu.memory_space<vmem>>) target(%dma_start3A_134 : memref<16x1024xf32, #tpu.memory_space<hbm>>) target_semaphore(%arg25 : memref<!tpu.dma_semaphore, #tpu.memory_space<semaphore_mem>>)
    %add3A_135 = arith.constant 48 : i32
    %add3A_136 = arith.addi %mul3A_2, %add3A_135 : i32
    %dma_wait3A_137 = arith.constant 0 : i32
    %dma_wait3A_138 = tpu.memref_slice %arg4[%add3A_136, %dma_wait3A_137] : memref<8192x1024xf32, #tpu.memory_space<hbm>> -> memref<16x1024xf32, #tpu.memory_space<hbm>>
    %dma_wait3A_139 = arith.constant 0 : i32
    %dma_wait3A_140 = tpu.memref_slice %arg4[%add3A_136, %dma_wait3A_139] : memref<8192x1024xf32, #tpu.memory_space<hbm>> -> memref<16x1024xf32, #tpu.memory_space<hbm>>
    tpu.wait_dma2 semaphore(%arg23 : memref<!tpu.dma_semaphore, #tpu.memory_space<semaphore_mem>>) src(%arg9 : memref<16x1024xf32, #tpu.memory_space<vmem>>) dst(%dma_wait3A_140 : memref<16x1024xf32, #tpu.memory_space<hbm>>)
    %dma_start3A_141 = arith.constant 160 : i32
    %dma_start3A_142 = tpu.memref_slice %arg5[%dma_start3A_141] : memref<256xi32, #tpu.memory_space<vmem>> -> memref<16xi32, #tpu.memory_space<vmem>>
    %dma_start3A_143 = arith.constant 0 : i32
    %dma_start3A_144 = arith.constant 0 : i32
    %dma_start3A_145 = tpu.memref_slice %arg3[%dma_start3A_143, %dma_start3A_144] : memref<100000x1024xf32, #tpu.memory_space<hbm>> -> memref<100000x1024xf32, #tpu.memory_space<hbm>>
    tpu.enqueue_indirect_dma source(%dma_start3A_145 : memref<100000x1024xf32, #tpu.memory_space<hbm>>) target(%arg9 : memref<16x1024xf32, #tpu.memory_space<vmem>>) offsets(%dma_start3A_142 : memref<16xi32, #tpu.memory_space<vmem>>) semaphore(%arg16 : memref<!tpu.dma_semaphore, #tpu.memory_space<semaphore_mem>>)
    %dma_wait3A_146 = arith.constant 96 : i32
    %dma_wait3A_147 = tpu.memref_slice %arg5[%dma_wait3A_146] : memref<256xi32, #tpu.memory_space<vmem>> -> memref<16xi32, #tpu.memory_space<vmem>>
    %dma_wait3A_148 = arith.constant 0 : i32
    %dma_wait3A_149 = arith.constant 0 : i32
    %dma_wait3A_150 = tpu.memref_slice %arg3[%dma_wait3A_148, %dma_wait3A_149] : memref<100000x1024xf32, #tpu.memory_space<hbm>> -> memref<100000x1024xf32, #tpu.memory_space<hbm>>
    tpu.wait_indirect_dma semaphore(%arg19 : memref<!tpu.dma_semaphore, #tpu.memory_space<semaphore_mem>>) src(%dma_wait3A_150 : memref<100000x1024xf32, #tpu.memory_space<hbm>>) dst(%arg12 : memref<16x1024xf32, #tpu.memory_space<vmem>>)
    %add3A_151 = arith.constant 96 : i32
    %add3A_152 = arith.addi %mul3A_2, %add3A_151 : i32
    %dma_start3A_153 = arith.constant 0 : i32
    %dma_start3A_154 = tpu.memref_slice %arg4[%add3A_152, %dma_start3A_153] : memref<8192x1024xf32, #tpu.memory_space<hbm>> -> memref<16x1024xf32, #tpu.memory_space<hbm>>
    %dma_start3A_155 = arith.constant 0 : i32
    %dma_start3A_156 = tpu.memref_slice %arg4[%add3A_152, %dma_start3A_155] : memref<8192x1024xf32, #tpu.memory_space<hbm>> -> memref<16x1024xf32, #tpu.memory_space<hbm>>
    tpu.enqueue_dma source(%arg12 : memref<16x1024xf32, #tpu.memory_space<vmem>>) target(%dma_start3A_156 : memref<16x1024xf32, #tpu.memory_space<hbm>>) target_semaphore(%arg26 : memref<!tpu.dma_semaphore, #tpu.memory_space<semaphore_mem>>)
    %add3A_157 = arith.constant 64 : i32
    %add3A_158 = arith.addi %mul3A_2, %add3A_157 : i32
    %dma_wait3A_159 = arith.constant 0 : i32
    %dma_wait3A_160 = tpu.memref_slice %arg4[%add3A_158, %dma_wait3A_159] : memref<8192x1024xf32, #tpu.memory_space<hbm>> -> memref<16x1024xf32, #tpu.memory_space<hbm>>
    %dma_wait3A_161 = arith.constant 0 : i32
    %dma_wait3A_162 = tpu.memref_slice %arg4[%add3A_158, %dma_wait3A_161] : memref<8192x1024xf32, #tpu.memory_space<hbm>> -> memref<16x1024xf32, #tpu.memory_space<hbm>>
    tpu.wait_dma2 semaphore(%arg24 : memref<!tpu.dma_semaphore, #tpu.memory_space<semaphore_mem>>) src(%arg10 : memref<16x1024xf32, #tpu.memory_space<vmem>>) dst(%dma_wait3A_162 : memref<16x1024xf32, #tpu.memory_space<hbm>>)
    %dma_start3A_163 = arith.constant 176 : i32
    %dma_start3A_164 = tpu.memref_slice %arg5[%dma_start3A_163] : memref<256xi32, #tpu.memory_space<vmem>> -> memref<16xi32, #tpu.memory_space<vmem>>
    %dma_start3A_165 = arith.constant 0 : i32
    %dma_start3A_166 = arith.constant 0 : i32
    %dma_start3A_167 = tpu.memref_slice %arg3[%dma_start3A_165, %dma_start3A_166] : memref<100000x1024xf32, #tpu.memory_space<hbm>> -> memref<100000x1024xf32, #tpu.memory_space<hbm>>
    tpu.enqueue_indirect_dma source(%dma_start3A_167 : memref<100000x1024xf32, #tpu.memory_space<hbm>>) target(%arg10 : memref<16x1024xf32, #tpu.memory_space<vmem>>) offsets(%dma_start3A_164 : memref<16xi32, #tpu.memory_space<vmem>>) semaphore(%arg17 : memref<!tpu.dma_semaphore, #tpu.memory_space<semaphore_mem>>)
    %dma_wait3A_168 = arith.constant 112 : i32
    %dma_wait3A_169 = tpu.memref_slice %arg5[%dma_wait3A_168] : memref<256xi32, #tpu.memory_space<vmem>> -> memref<16xi32, #tpu.memory_space<vmem>>
    %dma_wait3A_170 = arith.constant 0 : i32
    %dma_wait3A_171 = arith.constant 0 : i32
    %dma_wait3A_172 = tpu.memref_slice %arg3[%dma_wait3A_170, %dma_wait3A_171] : memref<100000x1024xf32, #tpu.memory_space<hbm>> -> memref<100000x1024xf32, #tpu.memory_space<hbm>>
    tpu.wait_indirect_dma semaphore(%arg13 : memref<!tpu.dma_semaphore, #tpu.memory_space<semaphore_mem>>) src(%dma_wait3A_172 : memref<100000x1024xf32, #tpu.memory_space<hbm>>) dst(%arg6 : memref<16x1024xf32, #tpu.memory_space<vmem>>)
    %add3A_173 = arith.constant 112 : i32
    %add3A_174 = arith.addi %mul3A_2, %add3A_173 : i32
    %dma_start3A_175 = arith.constant 0 : i32
    %dma_start3A_176 = tpu.memref_slice %arg4[%add3A_174, %dma_start3A_175] : memref<8192x1024xf32, #tpu.memory_space<hbm>> -> memref<16x1024xf32, #tpu.memory_space<hbm>>
    %dma_start3A_177 = arith.constant 0 : i32
    %dma_start3A_178 = tpu.memref_slice %arg4[%add3A_174, %dma_start3A_177] : memref<8192x1024xf32, #tpu.memory_space<hbm>> -> memref<16x1024xf32, #tpu.memory_space<hbm>>
    tpu.enqueue_dma source(%arg6 : memref<16x1024xf32, #tpu.memory_space<vmem>>) target(%dma_start3A_178 : memref<16x1024xf32, #tpu.memory_space<hbm>>) target_semaphore(%arg20 : memref<!tpu.dma_semaphore, #tpu.memory_space<semaphore_mem>>)
    %add3A_179 = arith.constant 80 : i32
    %add3A_180 = arith.addi %mul3A_2, %add3A_179 : i32
    %dma_wait3A_181 = arith.constant 0 : i32
    %dma_wait3A_182 = tpu.memref_slice %arg4[%add3A_180, %dma_wait3A_181] : memref<8192x1024xf32, #tpu.memory_space<hbm>> -> memref<16x1024xf32, #tpu.memory_space<hbm>>
    %dma_wait3A_183 = arith.constant 0 : i32
    %dma_wait3A_184 = tpu.memref_slice %arg4[%add3A_180, %dma_wait3A_183] : memref<8192x1024xf32, #tpu.memory_space<hbm>> -> memref<16x1024xf32, #tpu.memory_space<hbm>>
    tpu.wait_dma2 semaphore(%arg25 : memref<!tpu.dma_semaphore, #tpu.memory_space<semaphore_mem>>) src(%arg11 : memref<16x1024xf32, #tpu.memory_space<vmem>>) dst(%dma_wait3A_184 : memref<16x1024xf32, #tpu.memory_space<hbm>>)
    %dma_start3A_185 = arith.constant 192 : i32
    %dma_start3A_186 = tpu.memref_slice %arg5[%dma_start3A_185] : memref<256xi32, #tpu.memory_space<vmem>> -> memref<16xi32, #tpu.memory_space<vmem>>
    %dma_start3A_187 = arith.constant 0 : i32
    %dma_start3A_188 = arith.constant 0 : i32
    %dma_start3A_189 = tpu.memref_slice %arg3[%dma_start3A_187, %dma_start3A_188] : memref<100000x1024xf32, #tpu.memory_space<hbm>> -> memref<100000x1024xf32, #tpu.memory_space<hbm>>
    tpu.enqueue_indirect_dma source(%dma_start3A_189 : memref<100000x1024xf32, #tpu.memory_space<hbm>>) target(%arg11 : memref<16x1024xf32, #tpu.memory_space<vmem>>) offsets(%dma_start3A_186 : memref<16xi32, #tpu.memory_space<vmem>>) semaphore(%arg18 : memref<!tpu.dma_semaphore, #tpu.memory_space<semaphore_mem>>)
    %dma_wait3A_190 = arith.constant 128 : i32
    %dma_wait3A_191 = tpu.memref_slice %arg5[%dma_wait3A_190] : memref<256xi32, #tpu.memory_space<vmem>> -> memref<16xi32, #tpu.memory_space<vmem>>
    %dma_wait3A_192 = arith.constant 0 : i32
    %dma_wait3A_193 = arith.constant 0 : i32
    %dma_wait3A_194 = tpu.memref_slice %arg3[%dma_wait3A_192, %dma_wait3A_193] : memref<100000x1024xf32, #tpu.memory_space<hbm>> -> memref<100000x1024xf32, #tpu.memory_space<hbm>>
    tpu.wait_indirect_dma semaphore(%arg14 : memref<!tpu.dma_semaphore, #tpu.memory_space<semaphore_mem>>) src(%dma_wait3A_194 : memref<100000x1024xf32, #tpu.memory_space<hbm>>) dst(%arg7 : memref<16x1024xf32, #tpu.memory_space<vmem>>)
    %add3A_195 = arith.constant 128 : i32
    %add3A_196 = arith.addi %mul3A_2, %add3A_195 : i32
    %dma_start3A_197 = arith.constant 0 : i32
    %dma_start3A_198 = tpu.memref_slice %arg4[%add3A_196, %dma_start3A_197] : memref<8192x1024xf32, #tpu.memory_space<hbm>> -> memref<16x1024xf32, #tpu.memory_space<hbm>>
    %dma_start3A_199 = arith.constant 0 : i32
    %dma_start3A_200 = tpu.memref_slice %arg4[%add3A_196, %dma_start3A_199] : memref<8192x1024xf32, #tpu.memory_space<hbm>> -> memref<16x1024xf32, #tpu.memory_space<hbm>>
    tpu.enqueue_dma source(%arg7 : memref<16x1024xf32, #tpu.memory_space<vmem>>) target(%dma_start3A_200 : memref<16x1024xf32, #tpu.memory_space<hbm>>) target_semaphore(%arg21 : memref<!tpu.dma_semaphore, #tpu.memory_space<semaphore_mem>>)
    %add3A_201 = arith.constant 96 : i32
    %add3A_202 = arith.addi %mul3A_2, %add3A_201 : i32
    %dma_wait3A_203 = arith.constant 0 : i32
    %dma_wait3A_204 = tpu.memref_slice %arg4[%add3A_202, %dma_wait3A_203] : memref<8192x1024xf32, #tpu.memory_space<hbm>> -> memref<16x1024xf32, #tpu.memory_space<hbm>>
    %dma_wait3A_205 = arith.constant 0 : i32
    %dma_wait3A_206 = tpu.memref_slice %arg4[%add3A_202, %dma_wait3A_205] : memref<8192x1024xf32, #tpu.memory_space<hbm>> -> memref<16x1024xf32, #tpu.memory_space<hbm>>
    tpu.wait_dma2 semaphore(%arg26 : memref<!tpu.dma_semaphore, #tpu.memory_space<semaphore_mem>>) src(%arg12 : memref<16x1024xf32, #tpu.memory_space<vmem>>) dst(%dma_wait3A_206 : memref<16x1024xf32, #tpu.memory_space<hbm>>)
    %dma_start3A_207 = arith.constant 208 : i32
    %dma_start3A_208 = tpu.memref_slice %arg5[%dma_start3A_207] : memref<256xi32, #tpu.memory_space<vmem>> -> memref<16xi32, #tpu.memory_space<vmem>>
    %dma_start3A_209 = arith.constant 0 : i32
    %dma_start3A_210 = arith.constant 0 : i32
    %dma_start3A_211 = tpu.memref_slice %arg3[%dma_start3A_209, %dma_start3A_210] : memref<100000x1024xf32, #tpu.memory_space<hbm>> -> memref<100000x1024xf32, #tpu.memory_space<hbm>>
    tpu.enqueue_indirect_dma source(%dma_start3A_211 : memref<100000x1024xf32, #tpu.memory_space<hbm>>) target(%arg12 : memref<16x1024xf32, #tpu.memory_space<vmem>>) offsets(%dma_start3A_208 : memref<16xi32, #tpu.memory_space<vmem>>) semaphore(%arg19 : memref<!tpu.dma_semaphore, #tpu.memory_space<semaphore_mem>>)
    %dma_wait3A_212 = arith.constant 144 : i32
    %dma_wait3A_213 = tpu.memref_slice %arg5[%dma_wait3A_212] : memref<256xi32, #tpu.memory_space<vmem>> -> memref<16xi32, #tpu.memory_space<vmem>>
    %dma_wait3A_214 = arith.constant 0 : i32
    %dma_wait3A_215 = arith.constant 0 : i32
    %dma_wait3A_216 = tpu.memref_slice %arg3[%dma_wait3A_214, %dma_wait3A_215] : memref<100000x1024xf32, #tpu.memory_space<hbm>> -> memref<100000x1024xf32, #tpu.memory_space<hbm>>
    tpu.wait_indirect_dma semaphore(%arg15 : memref<!tpu.dma_semaphore, #tpu.memory_space<semaphore_mem>>) src(%dma_wait3A_216 : memref<100000x1024xf32, #tpu.memory_space<hbm>>) dst(%arg8 : memref<16x1024xf32, #tpu.memory_space<vmem>>)
    %add3A_217 = arith.constant 144 : i32
    %add3A_218 = arith.addi %mul3A_2, %add3A_217 : i32
    %dma_start3A_219 = arith.constant 0 : i32
    %dma_start3A_220 = tpu.memref_slice %arg4[%add3A_218, %dma_start3A_219] : memref<8192x1024xf32, #tpu.memory_space<hbm>> -> memref<16x1024xf32, #tpu.memory_space<hbm>>
    %dma_start3A_221 = arith.constant 0 : i32
    %dma_start3A_222 = tpu.memref_slice %arg4[%add3A_218, %dma_start3A_221] : memref<8192x1024xf32, #tpu.memory_space<hbm>> -> memref<16x1024xf32, #tpu.memory_space<hbm>>
    tpu.enqueue_dma source(%arg8 : memref<16x1024xf32, #tpu.memory_space<vmem>>) target(%dma_start3A_222 : memref<16x1024xf32, #tpu.memory_space<hbm>>) target_semaphore(%arg22 : memref<!tpu.dma_semaphore, #tpu.memory_space<semaphore_mem>>)
    %add3A_223 = arith.constant 112 : i32
    %add3A_224 = arith.addi %mul3A_2, %add3A_223 : i32
    %dma_wait3A_225 = arith.constant 0 : i32
    %dma_wait3A_226 = tpu.memref_slice %arg4[%add3A_224, %dma_wait3A_225] : memref<8192x1024xf32, #tpu.memory_space<hbm>> -> memref<16x1024xf32, #tpu.memory_space<hbm>>
    %dma_wait3A_227 = arith.constant 0 : i32
    %dma_wait3A_228 = tpu.memref_slice %arg4[%add3A_224, %dma_wait3A_227] : memref<8192x1024xf32, #tpu.memory_space<hbm>> -> memref<16x1024xf32, #tpu.memory_space<hbm>>
    tpu.wait_dma2 semaphore(%arg20 : memref<!tpu.dma_semaphore, #tpu.memory_space<semaphore_mem>>) src(%arg6 : memref<16x1024xf32, #tpu.memory_space<vmem>>) dst(%dma_wait3A_228 : memref<16x1024xf32, #tpu.memory_space<hbm>>)
    %dma_start3A_229 = arith.constant 224 : i32
    %dma_start3A_230 = tpu.memref_slice %arg5[%dma_start3A_229] : memref<256xi32, #tpu.memory_space<vmem>> -> memref<16xi32, #tpu.memory_space<vmem>>
    %dma_start3A_231 = arith.constant 0 : i32
    %dma_start3A_232 = arith.constant 0 : i32
    %dma_start3A_233 = tpu.memref_slice %arg3[%dma_start3A_231, %dma_start3A_232] : memref<100000x1024xf32, #tpu.memory_space<hbm>> -> memref<100000x1024xf32, #tpu.memory_space<hbm>>
    tpu.enqueue_indirect_dma source(%dma_start3A_233 : memref<100000x1024xf32, #tpu.memory_space<hbm>>) target(%arg6 : memref<16x1024xf32, #tpu.memory_space<vmem>>) offsets(%dma_start3A_230 : memref<16xi32, #tpu.memory_space<vmem>>) semaphore(%arg13 : memref<!tpu.dma_semaphore, #tpu.memory_space<semaphore_mem>>)
    %dma_wait3A_234 = arith.constant 160 : i32
    %dma_wait3A_235 = tpu.memref_slice %arg5[%dma_wait3A_234] : memref<256xi32, #tpu.memory_space<vmem>> -> memref<16xi32, #tpu.memory_space<vmem>>
    %dma_wait3A_236 = arith.constant 0 : i32
    %dma_wait3A_237 = arith.constant 0 : i32
    %dma_wait3A_238 = tpu.memref_slice %arg3[%dma_wait3A_236, %dma_wait3A_237] : memref<100000x1024xf32, #tpu.memory_space<hbm>> -> memref<100000x1024xf32, #tpu.memory_space<hbm>>
    tpu.wait_indirect_dma semaphore(%arg16 : memref<!tpu.dma_semaphore, #tpu.memory_space<semaphore_mem>>) src(%dma_wait3A_238 : memref<100000x1024xf32, #tpu.memory_space<hbm>>) dst(%arg9 : memref<16x1024xf32, #tpu.memory_space<vmem>>)
    %add3A_239 = arith.constant 160 : i32
    %add3A_240 = arith.addi %mul3A_2, %add3A_239 : i32
    %dma_start3A_241 = arith.constant 0 : i32
    %dma_start3A_242 = tpu.memref_slice %arg4[%add3A_240, %dma_start3A_241] : memref<8192x1024xf32, #tpu.memory_space<hbm>> -> memref<16x1024xf32, #tpu.memory_space<hbm>>
    %dma_start3A_243 = arith.constant 0 : i32
    %dma_start3A_244 = tpu.memref_slice %arg4[%add3A_240, %dma_start3A_243] : memref<8192x1024xf32, #tpu.memory_space<hbm>> -> memref<16x1024xf32, #tpu.memory_space<hbm>>
    tpu.enqueue_dma source(%arg9 : memref<16x1024xf32, #tpu.memory_space<vmem>>) target(%dma_start3A_244 : memref<16x1024xf32, #tpu.memory_space<hbm>>) target_semaphore(%arg23 : memref<!tpu.dma_semaphore, #tpu.memory_space<semaphore_mem>>)
    %add3A_245 = arith.constant 128 : i32
    %add3A_246 = arith.addi %mul3A_2, %add3A_245 : i32
    %dma_wait3A_247 = arith.constant 0 : i32
    %dma_wait3A_248 = tpu.memref_slice %arg4[%add3A_246, %dma_wait3A_247] : memref<8192x1024xf32, #tpu.memory_space<hbm>> -> memref<16x1024xf32, #tpu.memory_space<hbm>>
    %dma_wait3A_249 = arith.constant 0 : i32
    %dma_wait3A_250 = tpu.memref_slice %arg4[%add3A_246, %dma_wait3A_249] : memref<8192x1024xf32, #tpu.memory_space<hbm>> -> memref<16x1024xf32, #tpu.memory_space<hbm>>
    tpu.wait_dma2 semaphore(%arg21 : memref<!tpu.dma_semaphore, #tpu.memory_space<semaphore_mem>>) src(%arg7 : memref<16x1024xf32, #tpu.memory_space<vmem>>) dst(%dma_wait3A_250 : memref<16x1024xf32, #tpu.memory_space<hbm>>)
    %dma_start3A_251 = arith.constant 240 : i32
    %dma_start3A_252 = tpu.memref_slice %arg5[%dma_start3A_251] : memref<256xi32, #tpu.memory_space<vmem>> -> memref<16xi32, #tpu.memory_space<vmem>>
    %dma_start3A_253 = arith.constant 0 : i32
    %dma_start3A_254 = arith.constant 0 : i32
    %dma_start3A_255 = tpu.memref_slice %arg3[%dma_start3A_253, %dma_start3A_254] : memref<100000x1024xf32, #tpu.memory_space<hbm>> -> memref<100000x1024xf32, #tpu.memory_space<hbm>>
    tpu.enqueue_indirect_dma source(%dma_start3A_255 : memref<100000x1024xf32, #tpu.memory_space<hbm>>) target(%arg7 : memref<16x1024xf32, #tpu.memory_space<vmem>>) offsets(%dma_start3A_252 : memref<16xi32, #tpu.memory_space<vmem>>) semaphore(%arg14 : memref<!tpu.dma_semaphore, #tpu.memory_space<semaphore_mem>>)
    %dma_wait3A_256 = arith.constant 176 : i32
    %dma_wait3A_257 = tpu.memref_slice %arg5[%dma_wait3A_256] : memref<256xi32, #tpu.memory_space<vmem>> -> memref<16xi32, #tpu.memory_space<vmem>>
    %dma_wait3A_258 = arith.constant 0 : i32
    %dma_wait3A_259 = arith.constant 0 : i32
    %dma_wait3A_260 = tpu.memref_slice %arg3[%dma_wait3A_258, %dma_wait3A_259] : memref<100000x1024xf32, #tpu.memory_space<hbm>> -> memref<100000x1024xf32, #tpu.memory_space<hbm>>
    tpu.wait_indirect_dma semaphore(%arg17 : memref<!tpu.dma_semaphore, #tpu.memory_space<semaphore_mem>>) src(%dma_wait3A_260 : memref<100000x1024xf32, #tpu.memory_space<hbm>>) dst(%arg10 : memref<16x1024xf32, #tpu.memory_space<vmem>>)
    %add3A_261 = arith.constant 176 : i32
    %add3A_262 = arith.addi %mul3A_2, %add3A_261 : i32
    %dma_start3A_263 = arith.constant 0 : i32
    %dma_start3A_264 = tpu.memref_slice %arg4[%add3A_262, %dma_start3A_263] : memref<8192x1024xf32, #tpu.memory_space<hbm>> -> memref<16x1024xf32, #tpu.memory_space<hbm>>
    %dma_start3A_265 = arith.constant 0 : i32
    %dma_start3A_266 = tpu.memref_slice %arg4[%add3A_262, %dma_start3A_265] : memref<8192x1024xf32, #tpu.memory_space<hbm>> -> memref<16x1024xf32, #tpu.memory_space<hbm>>
    tpu.enqueue_dma source(%arg10 : memref<16x1024xf32, #tpu.memory_space<vmem>>) target(%dma_start3A_266 : memref<16x1024xf32, #tpu.memory_space<hbm>>) target_semaphore(%arg24 : memref<!tpu.dma_semaphore, #tpu.memory_space<semaphore_mem>>)
    %dma_wait3A_267 = arith.constant 192 : i32
    %dma_wait3A_268 = tpu.memref_slice %arg5[%dma_wait3A_267] : memref<256xi32, #tpu.memory_space<vmem>> -> memref<16xi32, #tpu.memory_space<vmem>>
    %dma_wait3A_269 = arith.constant 0 : i32
    %dma_wait3A_270 = arith.constant 0 : i32
    %dma_wait3A_271 = tpu.memref_slice %arg3[%dma_wait3A_269, %dma_wait3A_270] : memref<100000x1024xf32, #tpu.memory_space<hbm>> -> memref<100000x1024xf32, #tpu.memory_space<hbm>>
    tpu.wait_indirect_dma semaphore(%arg18 : memref<!tpu.dma_semaphore, #tpu.memory_space<semaphore_mem>>) src(%dma_wait3A_271 : memref<100000x1024xf32, #tpu.memory_space<hbm>>) dst(%arg11 : memref<16x1024xf32, #tpu.memory_space<vmem>>)
    %add3A_272 = arith.constant 192 : i32
    %add3A_273 = arith.addi %mul3A_2, %add3A_272 : i32
    %dma_start3A_274 = arith.constant 0 : i32
    %dma_start3A_275 = tpu.memref_slice %arg4[%add3A_273, %dma_start3A_274] : memref<8192x1024xf32, #tpu.memory_space<hbm>> -> memref<16x1024xf32, #tpu.memory_space<hbm>>
    %dma_start3A_276 = arith.constant 0 : i32
    %dma_start3A_277 = tpu.memref_slice %arg4[%add3A_273, %dma_start3A_276] : memref<8192x1024xf32, #tpu.memory_space<hbm>> -> memref<16x1024xf32, #tpu.memory_space<hbm>>
    tpu.enqueue_dma source(%arg11 : memref<16x1024xf32, #tpu.memory_space<vmem>>) target(%dma_start3A_277 : memref<16x1024xf32, #tpu.memory_space<hbm>>) target_semaphore(%arg25 : memref<!tpu.dma_semaphore, #tpu.memory_space<semaphore_mem>>)
    %dma_wait3A_278 = arith.constant 208 : i32
    %dma_wait3A_279 = tpu.memref_slice %arg5[%dma_wait3A_278] : memref<256xi32, #tpu.memory_space<vmem>> -> memref<16xi32, #tpu.memory_space<vmem>>
    %dma_wait3A_280 = arith.constant 0 : i32
    %dma_wait3A_281 = arith.constant 0 : i32
    %dma_wait3A_282 = tpu.memref_slice %arg3[%dma_wait3A_280, %dma_wait3A_281] : memref<100000x1024xf32, #tpu.memory_space<hbm>> -> memref<100000x1024xf32, #tpu.memory_space<hbm>>
    tpu.wait_indirect_dma semaphore(%arg19 : memref<!tpu.dma_semaphore, #tpu.memory_space<semaphore_mem>>) src(%dma_wait3A_282 : memref<100000x1024xf32, #tpu.memory_space<hbm>>) dst(%arg12 : memref<16x1024xf32, #tpu.memory_space<vmem>>)
    %add3A_283 = arith.constant 208 : i32
    %add3A_284 = arith.addi %mul3A_2, %add3A_283 : i32
    %dma_start3A_285 = arith.constant 0 : i32
    %dma_start3A_286 = tpu.memref_slice %arg4[%add3A_284, %dma_start3A_285] : memref<8192x1024xf32, #tpu.memory_space<hbm>> -> memref<16x1024xf32, #tpu.memory_space<hbm>>
    %dma_start3A_287 = arith.constant 0 : i32
    %dma_start3A_288 = tpu.memref_slice %arg4[%add3A_284, %dma_start3A_287] : memref<8192x1024xf32, #tpu.memory_space<hbm>> -> memref<16x1024xf32, #tpu.memory_space<hbm>>
    tpu.enqueue_dma source(%arg12 : memref<16x1024xf32, #tpu.memory_space<vmem>>) target(%dma_start3A_288 : memref<16x1024xf32, #tpu.memory_space<hbm>>) target_semaphore(%arg26 : memref<!tpu.dma_semaphore, #tpu.memory_space<semaphore_mem>>)
    %dma_wait3A_289 = arith.constant 224 : i32
    %dma_wait3A_290 = tpu.memref_slice %arg5[%dma_wait3A_289] : memref<256xi32, #tpu.memory_space<vmem>> -> memref<16xi32, #tpu.memory_space<vmem>>
    %dma_wait3A_291 = arith.constant 0 : i32
    %dma_wait3A_292 = arith.constant 0 : i32
    %dma_wait3A_293 = tpu.memref_slice %arg3[%dma_wait3A_291, %dma_wait3A_292] : memref<100000x1024xf32, #tpu.memory_space<hbm>> -> memref<100000x1024xf32, #tpu.memory_space<hbm>>
    tpu.wait_indirect_dma semaphore(%arg13 : memref<!tpu.dma_semaphore, #tpu.memory_space<semaphore_mem>>) src(%dma_wait3A_293 : memref<100000x1024xf32, #tpu.memory_space<hbm>>) dst(%arg6 : memref<16x1024xf32, #tpu.memory_space<vmem>>)
    %add3A_294 = arith.constant 224 : i32
    %add3A_295 = arith.addi %mul3A_2, %add3A_294 : i32
    %dma_start3A_296 = arith.constant 0 : i32
    %dma_start3A_297 = tpu.memref_slice %arg4[%add3A_295, %dma_start3A_296] : memref<8192x1024xf32, #tpu.memory_space<hbm>> -> memref<16x1024xf32, #tpu.memory_space<hbm>>
    %dma_start3A_298 = arith.constant 0 : i32
    %dma_start3A_299 = tpu.memref_slice %arg4[%add3A_295, %dma_start3A_298] : memref<8192x1024xf32, #tpu.memory_space<hbm>> -> memref<16x1024xf32, #tpu.memory_space<hbm>>
    tpu.enqueue_dma source(%arg6 : memref<16x1024xf32, #tpu.memory_space<vmem>>) target(%dma_start3A_299 : memref<16x1024xf32, #tpu.memory_space<hbm>>) target_semaphore(%arg20 : memref<!tpu.dma_semaphore, #tpu.memory_space<semaphore_mem>>)
    %dma_wait3A_300 = arith.constant 240 : i32
    %dma_wait3A_301 = tpu.memref_slice %arg5[%dma_wait3A_300] : memref<256xi32, #tpu.memory_space<vmem>> -> memref<16xi32, #tpu.memory_space<vmem>>
    %dma_wait3A_302 = arith.constant 0 : i32
    %dma_wait3A_303 = arith.constant 0 : i32
    %dma_wait3A_304 = tpu.memref_slice %arg3[%dma_wait3A_302, %dma_wait3A_303] : memref<100000x1024xf32, #tpu.memory_space<hbm>> -> memref<100000x1024xf32, #tpu.memory_space<hbm>>
    tpu.wait_indirect_dma semaphore(%arg14 : memref<!tpu.dma_semaphore, #tpu.memory_space<semaphore_mem>>) src(%dma_wait3A_304 : memref<100000x1024xf32, #tpu.memory_space<hbm>>) dst(%arg7 : memref<16x1024xf32, #tpu.memory_space<vmem>>)
    %add3A_305 = arith.constant 240 : i32
    %add3A_306 = arith.addi %mul3A_2, %add3A_305 : i32
    %dma_start3A_307 = arith.constant 0 : i32
    %dma_start3A_308 = tpu.memref_slice %arg4[%add3A_306, %dma_start3A_307] : memref<8192x1024xf32, #tpu.memory_space<hbm>> -> memref<16x1024xf32, #tpu.memory_space<hbm>>
    %dma_start3A_309 = arith.constant 0 : i32
    %dma_start3A_310 = tpu.memref_slice %arg4[%add3A_306, %dma_start3A_309] : memref<8192x1024xf32, #tpu.memory_space<hbm>> -> memref<16x1024xf32, #tpu.memory_space<hbm>>
    tpu.enqueue_dma source(%arg7 : memref<16x1024xf32, #tpu.memory_space<vmem>>) target(%dma_start3A_310 : memref<16x1024xf32, #tpu.memory_space<hbm>>) target_semaphore(%arg21 : memref<!tpu.dma_semaphore, #tpu.memory_space<semaphore_mem>>)
    %add3A_311 = arith.constant 144 : i32
    %add3A_312 = arith.addi %mul3A_2, %add3A_311 : i32
    %dma_wait3A_313 = arith.constant 0 : i32
    %dma_wait3A_314 = tpu.memref_slice %arg4[%add3A_312, %dma_wait3A_313] : memref<8192x1024xf32, #tpu.memory_space<hbm>> -> memref<16x1024xf32, #tpu.memory_space<hbm>>
    %dma_wait3A_315 = arith.constant 0 : i32
    %dma_wait3A_316 = tpu.memref_slice %arg4[%add3A_312, %dma_wait3A_315] : memref<8192x1024xf32, #tpu.memory_space<hbm>> -> memref<16x1024xf32, #tpu.memory_space<hbm>>
    tpu.wait_dma2 semaphore(%arg22 : memref<!tpu.dma_semaphore, #tpu.memory_space<semaphore_mem>>) src(%arg8 : memref<16x1024xf32, #tpu.memory_space<vmem>>) dst(%dma_wait3A_316 : memref<16x1024xf32, #tpu.memory_space<hbm>>)
    %add3A_317 = arith.constant 160 : i32
    %add3A_318 = arith.addi %mul3A_2, %add3A_317 : i32
    %dma_wait3A_319 = arith.constant 0 : i32
    %dma_wait3A_320 = tpu.memref_slice %arg4[%add3A_318, %dma_wait3A_319] : memref<8192x1024xf32, #tpu.memory_space<hbm>> -> memref<16x1024xf32, #tpu.memory_space<hbm>>
    %dma_wait3A_321 = arith.constant 0 : i32
    %dma_wait3A_322 = tpu.memref_slice %arg4[%add3A_318, %dma_wait3A_321] : memref<8192x1024xf32, #tpu.memory_space<hbm>> -> memref<16x1024xf32, #tpu.memory_space<hbm>>
    tpu.wait_dma2 semaphore(%arg23 : memref<!tpu.dma_semaphore, #tpu.memory_space<semaphore_mem>>) src(%arg9 : memref<16x1024xf32, #tpu.memory_space<vmem>>) dst(%dma_wait3A_322 : memref<16x1024xf32, #tpu.memory_space<hbm>>)
    %add3A_323 = arith.constant 176 : i32
    %add3A_324 = arith.addi %mul3A_2, %add3A_323 : i32
    %dma_wait3A_325 = arith.constant 0 : i32
    %dma_wait3A_326 = tpu.memref_slice %arg4[%add3A_324, %dma_wait3A_325] : memref<8192x1024xf32, #tpu.memory_space<hbm>> -> memref<16x1024xf32, #tpu.memory_space<hbm>>
    %dma_wait3A_327 = arith.constant 0 : i32
    %dma_wait3A_328 = tpu.memref_slice %arg4[%add3A_324, %dma_wait3A_327] : memref<8192x1024xf32, #tpu.memory_space<hbm>> -> memref<16x1024xf32, #tpu.memory_space<hbm>>
    tpu.wait_dma2 semaphore(%arg24 : memref<!tpu.dma_semaphore, #tpu.memory_space<semaphore_mem>>) src(%arg10 : memref<16x1024xf32, #tpu.memory_space<vmem>>) dst(%dma_wait3A_328 : memref<16x1024xf32, #tpu.memory_space<hbm>>)
    %add3A_329 = arith.constant 192 : i32
    %add3A_330 = arith.addi %mul3A_2, %add3A_329 : i32
    %dma_wait3A_331 = arith.constant 0 : i32
    %dma_wait3A_332 = tpu.memref_slice %arg4[%add3A_330, %dma_wait3A_331] : memref<8192x1024xf32, #tpu.memory_space<hbm>> -> memref<16x1024xf32, #tpu.memory_space<hbm>>
    %dma_wait3A_333 = arith.constant 0 : i32
    %dma_wait3A_334 = tpu.memref_slice %arg4[%add3A_330, %dma_wait3A_333] : memref<8192x1024xf32, #tpu.memory_space<hbm>> -> memref<16x1024xf32, #tpu.memory_space<hbm>>
    tpu.wait_dma2 semaphore(%arg25 : memref<!tpu.dma_semaphore, #tpu.memory_space<semaphore_mem>>) src(%arg11 : memref<16x1024xf32, #tpu.memory_space<vmem>>) dst(%dma_wait3A_334 : memref<16x1024xf32, #tpu.memory_space<hbm>>)
    %add3A_335 = arith.constant 208 : i32
    %add3A_336 = arith.addi %mul3A_2, %add3A_335 : i32
    %dma_wait3A_337 = arith.constant 0 : i32
    %dma_wait3A_338 = tpu.memref_slice %arg4[%add3A_336, %dma_wait3A_337] : memref<8192x1024xf32, #tpu.memory_space<hbm>> -> memref<16x1024xf32, #tpu.memory_space<hbm>>
    %dma_wait3A_339 = arith.constant 0 : i32
    %dma_wait3A_340 = tpu.memref_slice %arg4[%add3A_336, %dma_wait3A_339] : memref<8192x1024xf32, #tpu.memory_space<hbm>> -> memref<16x1024xf32, #tpu.memory_space<hbm>>
    tpu.wait_dma2 semaphore(%arg26 : memref<!tpu.dma_semaphore, #tpu.memory_space<semaphore_mem>>) src(%arg12 : memref<16x1024xf32, #tpu.memory_space<vmem>>) dst(%dma_wait3A_340 : memref<16x1024xf32, #tpu.memory_space<hbm>>)
    %add3A_341 = arith.constant 224 : i32
    %add3A_342 = arith.addi %mul3A_2, %add3A_341 : i32
    %dma_wait3A_343 = arith.constant 0 : i32
    %dma_wait3A_344 = tpu.memref_slice %arg4[%add3A_342, %dma_wait3A_343] : memref<8192x1024xf32, #tpu.memory_space<hbm>> -> memref<16x1024xf32, #tpu.memory_space<hbm>>
    %dma_wait3A_345 = arith.constant 0 : i32
    %dma_wait3A_346 = tpu.memref_slice %arg4[%add3A_342, %dma_wait3A_345] : memref<8192x1024xf32, #tpu.memory_space<hbm>> -> memref<16x1024xf32, #tpu.memory_space<hbm>>
    tpu.wait_dma2 semaphore(%arg20 : memref<!tpu.dma_semaphore, #tpu.memory_space<semaphore_mem>>) src(%arg6 : memref<16x1024xf32, #tpu.memory_space<vmem>>) dst(%dma_wait3A_346 : memref<16x1024xf32, #tpu.memory_space<hbm>>)
    %add3A_347 = arith.constant 240 : i32
    %add3A_348 = arith.addi %mul3A_2, %add3A_347 : i32
    %dma_wait3A_349 = arith.constant 0 : i32
    %dma_wait3A_350 = tpu.memref_slice %arg4[%add3A_348, %dma_wait3A_349] : memref<8192x1024xf32, #tpu.memory_space<hbm>> -> memref<16x1024xf32, #tpu.memory_space<hbm>>
    %dma_wait3A_351 = arith.constant 0 : i32
    %dma_wait3A_352 = tpu.memref_slice %arg4[%add3A_348, %dma_wait3A_351] : memref<8192x1024xf32, #tpu.memory_space<hbm>> -> memref<16x1024xf32, #tpu.memory_space<hbm>>
    tpu.wait_dma2 semaphore(%arg21 : memref<!tpu.dma_semaphore, #tpu.memory_space<semaphore_mem>>) src(%arg7 : memref<16x1024xf32, #tpu.memory_space<vmem>>) dst(%dma_wait3A_352 : memref<16x1024xf32, #tpu.memory_space<hbm>>)
    return
  }
}

</mosaic_0001>

<sc_bundles>
// kernel: kernel.3.cloned.1.call-start
scs
__scs_entry_jumppad:
0x0: {  	(pc) =	sbr.rel $0x88, $3  }
0x1: {  	(tag) =	ssettag $0x0;
	lr =	simm.s32 $0x1  }
0x2: {  	[smem:$0x3F9F] =	sst lr;
	_ =	strace $0xD0000000  }
0x3: {  	_ = 	snop  }
0x4: {  	_ = 	snop  }
0x5: {  	_ = 	snop  }
0x6: {  	_ = 	snop  }
0x7: {  	_ = 	snop  }
__scs_overlays_trampoline_lowered:
0x8: {  	[smem:$0x3FAE] =	sst s0  }
0x9: {  	[smem:$0x3FAF] =	sst s1  }
0xa: {  	[smem:$0x3FB0] =	sst s2  }
0xb: {  	[smem:$0x3FB1] =	sst s3  }
0xc: {  	[smem:$0x3FB2] =	sst s4  }
0xd: {  	[smem:$0x3FB3] =	sst s5  }
0xe: {  	[smem:$0x3FB4] =	sst s6  }
0xf: {  	[smem:$0x3FB5] =	sst s7  }
0x10: {  	[smem:$0x3FB6] =	sst s8  }
0x11: {  	[smem:$0x3FB7] =	sst s9;
	s0 =	simm.s32 @!p0 $0x0  }
0x12: {  	s1 =	sld [smem:$0x3F9D];
	s0 =	simm.s32 @p0 $0x1  }
0x13: {  	[smem:$0x3FB8] =	sst s0;
	s0 =	simm.s32 @!p1 $0x0  }
0x14: {  	s2 =	sld [smem:$0x3F9C];
	s0 =	simm.s32 @p1 $0x1  }
0x15: {  	[smem:$0x3FB9] =	sst s0;
	s0 =	simm.s32 @!p2 $0x0  }
0x16: {  	s3 =	sld [smem:$0x3FDB];
	s0 =	simm.s32 @p2 $0x1  }
0x17: {  	s4 =	simm.s32 $0x1BF5;
	[smem:$0x3FBB] =	sst s0  }
0x18: {  	s0 =	sld [smem:$0x3F9E];
	_ =	swait.ge [sflag:s4], $0x0  }
0x19: {  	s7 =	sld [smem:$0x3F9F]  }
0x1a: {  	s8 =	sadd.s32 $0xFFFFE003, lr  }
0x1b: {  	s9 =	sadd.s32 $0xFFFFFEF7, lr;
	s5 =	simm.s32 $0xFFFFFFFF;
	p2 =	slt.u32 s8, $0xFFFFF086  }
0x1c: {  	p1 =	slt.u32 s9, $0xF7A;
	s5 =	simm.s32 @!p2 $0x0  }
0x1d: {  	s5 =	simm.s32 @p1 $0x1;
	p0 =	seq.s32 s7, s2  }
0x1e: {  	s7 =	smul.u32 @!p0 $0xF7A, s2;
	p2 =	seq.s32 @!p0 s5, $0x0  }
0x1f: {  	s9 =	smul.u32 $0xF7A, s1;
	s8 =	simm.s32 @!p0 $0x1BF5;
	p2 =	por !p2, p0  }
0x20: {  	[sflag:s8] =	ssyncset.s32 @!p0 $0xFFFFF086;
	s6 =	sadd.s32 @!p0 s3, s7;
	s7 =	simm.s32 @!p0 $0x108  }
0x21: {  	s3 =	sadd.s32 s3, s9;
	s6 =	sadd.s32 @!p0 $0x88, s6;
	s7 =	simm.s32 @p2 $0x1082  }
0x22: {  	[simem:s7], [sflag:s8] =	dma.local @!p0 [hbm:s6], $0xF7A  }
0x23: {  	s9 =	sor.u32 $0xD0000000, s2;
	s6 =	simm.s32 $0x108;
	_ =	swait.ge @!p0 [sflag:s8], $0x0  }
0x24: {  	s3 =	sadd.s32 $0x88, s3;
	s6 =	simm.s32 @!p1 $0x1082;
	[sflag:s4] =	ssyncset.s32 $0xFFFFF086  }
0x25: {  	[simem:s6], [sflag:s4] =	dma.local [hbm:s3], $0xF7A  }
0x26: {  	[smem:$0x3F9F] =	sst s1;
	(tag) =	ssettag s2;
	_ =	strace s9  }
0x27: {  	s1 =	sld [smem:$0x3FAF]  }
0x28: {  	s2 =	sld [smem:$0x3FB0]  }
0x29: {  	s4 =	sld [smem:$0x3FB2]  }
0x2a: {  	p0 =	seq.s32 s5, $0x0;
	s5 =	sld [smem:$0x3FB3]  }
0x2b: {  	s6 =	sld [smem:$0x3FB4]  }
0x2c: {  	s7 =	sld [smem:$0x3FB5]  }
0x2d: {  	s3 =	simm.s32 $0x108;
	s8 =	sld [smem:$0x3FB6]  }
0x2e: {  	s3 =	simm.s32 @!p0 $0x1082;
	s9 =	sld [smem:$0x3FB7]  }
0x2f: {  	lr =	sadd.s32 s0, s3;
	s0 =	sld [smem:$0x3FAE]  }
0x30: {  	s3 =	sld [smem:$0x3FB1]  }
0x31: {  	[smem:$0x3FBA] =	sst s10  }
0x32: {  	s10 =	sld [smem:$0x3FB8];
	_ =	sdelay $0x3  }
0x33: {  	p0 =	seq.s32 s10, $0x1;
	s10 =	sld [smem:$0x3FBA];
	_ =	sdelay $0x3  }
0x34: {  	[smem:$0x3FBA] =	sst s10  }
0x35: {  	s10 =	sld [smem:$0x3FB9];
	_ =	sdelay $0x3  }
0x36: {  	p1 =	seq.s32 s10, $0x1;
	s10 =	sld [smem:$0x3FBA];
	_ =	sdelay $0x3  }
0x37: {  	[smem:$0x3FBA] =	sst s10  }
0x38: {  	s10 =	sld [smem:$0x3FBB]  }
0x39: {  	_ = 	snop;
	(pc) =	sbr.ind lr, $3  }
0x3a: {  	_ = 	snop  }
0x3b: {  	_ = 	snop  }
0x3c: {  	p2 =	seq.s32 s10, $0x1;
	s10 =	sld [smem:$0x3FBA]  }
0x3d: {  	_ =	shalt  }
0x3e: {  	_ =	shalt  }
0x3f: {  	_ =	shalt  }
0x40: {  	_ =	shalt  }
0x41: {  	_ =	shalt  }
0x42: {  	_ =	shalt  }
0x43: {  	_ =	shalt  }
0x44: {  	_ =	shalt  }
0x45: {  	_ =	shalt  }
0x46: {  	_ =	shalt  }
0x47: {  	_ =	shalt  }
0x48: {  	_ =	shalt  }
0x49: {  	_ =	shalt  }
0x4a: {  	_ =	shalt  }
0x4b: {  	_ =	shalt  }
0x4c: {  	_ =	shalt  }
0x4d: {  	_ =	shalt  }
0x4e: {  	_ =	shalt  }
0x4f: {  	_ =	shalt  }
0x50: {  	_ =	shalt  }
0x51: {  	_ =	shalt  }
0x52: {  	_ =	shalt  }
0x53: {  	_ =	shalt  }
0x54: {  	_ =	shalt  }
0x55: {  	_ =	shalt  }
0x56: {  	_ =	shalt  }
0x57: {  	_ =	shalt  }
0x58: {  	_ =	shalt  }
0x59: {  	_ =	shalt  }
0x5a: {  	_ =	shalt  }
0x5b: {  	_ =	shalt  }
0x5c: {  	_ =	shalt  }
0x5d: {  	_ =	shalt  }
0x5e: {  	_ =	shalt  }
0x5f: {  	_ =	shalt  }
0x60: {  	_ =	shalt  }
0x61: {  	_ =	shalt  }
0x62: {  	_ =	shalt  }
0x63: {  	_ =	shalt  }
0x64: {  	_ =	shalt  }
0x65: {  	_ =	shalt  }
0x66: {  	_ =	shalt  }
0x67: {  	_ =	shalt  }
0x68: {  	_ =	shalt  }
0x69: {  	_ =	shalt  }
0x6a: {  	_ =	shalt  }
0x6b: {  	_ =	shalt  }
0x6c: {  	_ =	shalt  }
0x6d: {  	_ =	shalt  }
0x6e: {  	_ =	shalt  }
0x6f: {  	_ =	shalt  }
0x70: {  	_ =	shalt  }
0x71: {  	_ =	shalt  }
0x72: {  	_ =	shalt  }
0x73: {  	_ =	shalt  }
0x74: {  	_ =	shalt  }
0x75: {  	_ =	shalt  }
0x76: {  	_ =	shalt  }
0x77: {  	_ =	shalt  }
0x78: {  	_ =	shalt  }
0x79: {  	_ =	shalt  }
0x7a: {  	_ =	shalt  }
0x7b: {  	_ =	shalt  }
0x7c: {  	_ =	shalt  }
0x7d: {  	_ =	shalt  }
0x7e: {  	_ =	shalt  }
0x7f: {  	_ =	shalt  }
0x80: {  	_ =	shalt  }
0x81: {  	_ =	shalt  }
0x82: {  	_ =	shalt  }
0x83: {  	_ =	shalt  }
0x84: {  	_ =	shalt  }
0x85: {  	_ =	shalt  }
0x86: {  	_ =	shalt  }
0x87: {  	_ =	shalt  }
.Lfunc_end0:
.L_simem_size_0:
called_computation_lowered:
.L_overlay_start_0:
0x88: {  	s2 =	sld [smem:$0x3FD9]  }
0x89: {  	s3 =	sld [smem:$0x3FFE];
	_ =	sdelay $0x1  }
0x8a: {  	s1 =	srdreg.scid  }
0x8b: {  	s0 =	sand.u32 $0x1, s1  }
0x8c: {  	s17 =	sshll.u32 s0, $0xA;
	s2 =	sadd.s32 s3, s2  }
0x8d: {  	s2 =	sadd.s32 s2, s17  }
0x8e: {  	[smem:$0x3FC6] =	sst s2  }
0x8f: {  	_ = 	snop  }
0x90: {  	s2 =	sld [smem:$0x3FC8]  }
0x91: {  	s18 =	sld [smem:$0x3FD0];
	(tm) =	ssettm $0x1  }
0x92: {  	s4 =	sld [smem:$0x3FFB];
	_ =	sdelay $0x3  }
0x93: {  	_ =	strace s4  }
0x94: {  	s4 =	sld [smem:$0x3FFC];
	_ =	sdelay $0x3  }
0x95: {  	_ =	strace s4  }
0x96: {  	s4 =	sld [smem:$0x3FFD];
	_ =	sdelay $0x3  }
0x97: {  	_ =	strace s4  }
0x98: {  	_ =	strace $0x8FFFFFFF  }
0x99: {  	s19 =	sld [smem:$0x3FDB];
	_ =	sdelay $0x1  }
0x9a: {  	s5 =	simm.s32 $_scs_section_size  }
0x9b: {  	s6 =	simm.s32 $_size__tile_overlayer_lowered;
	s7 =	simm.s32 $_tile_overlayer_lowered  }
0x9c: {  	s22 =	simm.s32 $0x1BFF;
	s21 =	sshll.u32 s7, $0x1;
	s4 =	sadd.s32 s5, s19  }
0x9d: {  	s8 =	simm.s32 $0x0;
	s20 =	sshll.u32 s6, $0x1;
	s6 =	sadd.s32 s21, s4  }
0x9e: {  	[timem:s8], [sflag:s22] =	dma.local [hbm:s6], s20  }
0x9f: {  	_ =	swait.ge [sflag:s22], s20  }
0xa0: {  	s5 =	ssub.s32 $0x0, s20;
	[sflag:s22] =	ssyncset.done $0x0  }
0xa1: {  	[sflag:s22] =	ssyncadd.s32 s5;
	_ =	sdelay $0x1  }
0xa2: {  	s23 =	simm.s32 $0x1B8B  }
0xa3: {  	_ =	swait.ge [sflag:s23], $0x1  }
0xa4: {  	[sflag:s23] =	ssyncset.done $0x0  }
0xa5: {  	s25 =	simm.s32 $0x1B8E;
	s24 =	sld [smem:$0x3FFE];
	[sflag:s23] =	ssyncadd.s32 $0xFFFFFFFF  }
0xa6: {  	s26 =	simm.s32 $execute0_lowered;
	[smem:$0x3FD2] =	sst s25  }
0xa7: {  	s6 =	sshll.u32 s26, $0x1;
	_ =	strace $0x80000046;
	[dreg:$0x1] =	wrdreg $0xFFFFFFFF  }
0xa8: {  	s28 =	simm.s32 $_size_execute0_lowered;
	s4 =	sadd.s32 s4, s6;
	[dreg:$0x0] =	wrdreg $0x0  }
0xa9: {  	s6 =	sshll.u32 s28, $0x1;
	[dreg:$0x2] =	wrdreg s4  }
0xaa: {  	[dreg:$0x3] =	wrdreg s6  }
0xab: {  	[dreg:$0x4] =	wrdreg $0xC0  }
0xac: {  	_ =	task [dreg:s8], $0x5FFFF  }
0xad: {  	[dreg:$0x1] =	wrdreg $0xFFFFFFFF  }
0xae: {  	[dreg:$0x0] =	wrdreg $0x60  }
0xaf: {  	[dreg:$0x2] =	wrdreg s24  }
0xb0: {  	[dreg:$0x3] =	wrdreg s2  }
0xb1: {  	[dreg:$0x4] =	wrdreg s18  }
0xb2: {  	[dreg:$0x5] =	wrdreg $0x9  }
0xb3: {  	_ =	task.clear_ibuf [dreg:s8], $0x6FFFF;
	_ =	strace $0x90000046  }
0xb4: {  	s29 =	simm.s32 $0x9;
	_ =	strace $0x80000048  }
0xb5: {  	_ =	swait.ge [sflag:s29], $0x1  }
0xb6: {  	[sflag:s29] =	ssyncadd.s32 $0xFFFFFFFF  }
0xb7: {  	_ =	strace $0x90000048  }
0xb8: {  	_ =	sfence  }
0xb9: {  	s30 =	sld [smem:$0x0];
	_ =	sdelay $0x2  }
0xba: {  	s31 =	sshll.u32 s1, $0xD;
	s1 =	sshrl.u32 s1, $0x2  }
0xbb: {  	s3 =	sand.u32 $0x4000, s31;
	s1 =	sadd.s32 s1, s30  }
0xbc: {  	s0 =	sor.u32 s3, s0;
	s1 =	sshll.u32 s1, $0x11  }
0xbd: {  	s0 =	sor.u32 s1, s0  }
0xbe: {  	s0 =	sadd.s32 $0x8F2B, s0  }
0xbf: {  	[sflag:s0] =	ssyncadd.remote.s32 $0x1  }
0xc0: {  	_ =	sfence.sel $0xFFFF  }
0xc1: {  	[dreg:$0x0] =	wrdreg $0xFFFFFFFF;
	(pc) =	sbr.abs _section_cstart, $3  }
0xc2: {  	[dreg:$0x1] =	wrdreg $0xFFFFFFFF  }
0xc3: {  	_ =	task.clear_ibuf [dreg:s8], $0x2FFFF;
	_ =	strace $0x9FFFFFFF  }
0xc4: {  	(tm) =	ssettm $0x7FFFFFFF  }
0xc5: {  	_ =	shalt  }
tec
execute0_lowered:
.L_overlay_start_1:
0x0: {  	(tag) =	ssettag $0x1  }
0x1: {  	s0 =	srdreg.scid  }
0x2: {  	s1 =	rddreg [dreg:$0x0];
	s3 =	stileid.u32;
	s0 =	sand.u32 $0x1, s0  }
0x3: {  	s2 =	rddreg [dreg:$0x1];
	s3 =	sshll.u32 s3, $0x9;
	s4 =	sshll.u32 s0, $0x8  }
0x4: {  	s5 =	rddreg [dreg:$0x2];
	s4 =	sor.u32 s4, s3  }
0x5: {  	s3 =	simm.s32 $0x0;
	s6 =	sshrl.u32 s4, $0x3;
	s4 =	sshll.u32 s4, $0x7  }
0x6: {  	[smem:$0x7FF] =	sst s3;
	s1 =	sadd.s32 s6, s1;
	s11 =	sadd.s32 s5, s4  }
0x7: {  	_ =	strace $0x80000047;
	s1 =	sadd.s32 $0x400, s1;
	[dreg:$0x14] =	wrdreg s11  }
0x8: {  	s12 =	sadd.s32 $0x800, s11;
	[dreg:$0x4] =	wrdreg s1  }
0x9: {  	s13 =	sadd.s32 $0x1000, s11;
	[dreg:$0x5] =	wrdreg s12  }
0xa: {  	s30 =	simm.s32 $0x2;
	s14 =	sadd.s32 $0x1800, s11;
	[dreg:$0x6] =	wrdreg s13  }
0xb: {  	s9 =	simm.s32 $0x8;
	s15 =	sadd.s32 $0x2000, s11;
	[dreg:$0x7] =	wrdreg s14  }
0xc: {  	s10 =	simm.s32 $0x4100;
	s16 =	sadd.s32 $0x2800, s11;
	[dreg:$0x8] =	wrdreg s15  }
0xd: {  	s28 =	simm.s32 $0x8900;
	s17 =	sadd.s32 $0x3000, s11;
	[dreg:$0x9] =	wrdreg s16  }
0xe: {  	s29 =	simm.s32 $0xC100;
	s18 =	sadd.s32 $0x3800, s11;
	[dreg:$0xa] =	wrdreg s17  }
0xf: {  	s7 =	sadd.s32 $0x300, s2;
	s19 =	sadd.s32 $0x4000, s11;
	[dreg:$0xb] =	wrdreg s18  }
0x10: {  	s0 =	ssub.s32 $0x2, s0;
	s20 =	sadd.s32 $0x4800, s11;
	[dreg:$0xc] =	wrdreg s19  }
0x11: {  	s24 =	sshrl.u32 s0, $0x1;
	s21 =	sadd.s32 $0x5000, s11;
	[dreg:$0xd] =	wrdreg s20  }
0x12: {  	s0 =	ssub.s32 s0, s24;
	s22 =	sadd.s32 $0x5800, s11;
	[dreg:$0xe] =	wrdreg s21  }
0x13: {  	s5 =	sadd.s32 $0x100, s2;
	s23 =	sadd.s32 $0x6000, s11;
	[dreg:$0xf] =	wrdreg s22  }
0x14: {  	s6 =	sadd.s32 $0x200, s2;
	s25 =	sadd.s32 $0x6800, s11;
	[dreg:$0x10] =	wrdreg s23  }
0x15: {  	s8 =	smax.u32 s0, $0x1;
	s26 =	sadd.s32 $0x7000, s11;
	[dreg:$0x11] =	wrdreg s25  }
0x16: {  	s31 =	sadd.s32 $0x7800, s11;
	s11 =	simm.s32 $0x18100;
	[dreg:$0x12] =	wrdreg s26  }
0x17: {  	v2 =	vlaneseq.u32;
	[dreg:$0x13] =	wrdreg s31;
	s17 =	simm.s32 $0x1;
	s12 =	simm.s32 $0x9  }
0x18: {  	vm0 =	vmmov $0xffff;
	v1 =	vshrl.u32 v2, $0x3;
	s13 =	simm.s32 $0x100;
	s15 =	simm.s32 $0x8100;
	s25 =	simm.s32 $0xB100  }
0x19: {  	v0 =	vand.u32 $0x7, v2;
	v2 =	vor.u32 $0x8, v2;
	v1 =	vmul.u32 $0x8, v1;
	s26 =	simm.s32 $0xB900;
	s20 =	simm.s32 $0x10100;
	s14 =	simm.s32 $0x14100  }
.LBB2_1:
0x1a: {  	s22 =	rddreg [dreg:$0x4];
	s21 =	simm.s32 $0xF  }
0x1b: {  	[tilespmem:s3], [sflag:$0xF] =	stream.linear.gather [hbm4b:s22+s3], $0x100, $0x38;
	[tilespmem:$0x1C100] =	vst v63  }
0x1c: {  	_ =	swait.ge [sflag:s21], $0x100  }
0x1d: {  	[sflag:s21] =	ssyncset.done $0x0  }
0x1e: {  	[sflag:s21] =	ssyncadd.s32 $0xFFFFFF00  }
0x1f: {  	v3 =	vld [tilespmem:$0x0];
	_ =	sdelay $0x4  }
0x20: {  	v4 =	vshll.u32 v3, $0x3  }
0x21: {  	v3 =	vand.u32 $0x7, v3;
	v4 =	vand.u32 $0xFFFFFFC0, v4  }
0x22: {  	v3 =	vor.u32 v3, v4  }
0x23: {  	v4 =	vperm.xlane v3, v0;
	_ =	sdelay $0x1  }
0x24: {  	v4 =	vadd.s32 v1, v4;
	_ =	sdelay $0x4  }
0x25: {  	[tilespmem:s13], [sflag:$0x1] =	stream.indirect_vreg.gather [hbm4b:s2+s3], $0x80, v4, vm0, $0xb8;
	[tilespmem:$0x1C100] =	vst v63  }
0x26: {  	s0 =	simm.s32 $0x900;
	v3 =	vperm.xlane v3, v2  }
0x27: {  	[tilespmem:s0], [sflag:$0x1] =	stream.indirect_vreg.gather [hbm4b:s5+s3], $0x80, v4, vm0, $0xb8;
	[tilespmem:$0x1C100] =	vst v63  }
0x28: {  	s23 =	simm.s32 $0x1100;
	v3 =	vadd.s32 v1, v3  }
0x29: {  	[tilespmem:s23], [sflag:$0x1] =	stream.indirect_vreg.gather [hbm4b:s6+s3], $0x80, v4, vm0, $0xb8;
	[tilespmem:$0x1C100] =	vst v63  }
0x2a: {  	s24 =	simm.s32 $0x1900  }
0x2b: {  	[tilespmem:s24], [sflag:$0x1] =	stream.indirect_vreg.gather [hbm4b:s7+s3], $0x80, v4, vm0, $0xb8;
	[tilespmem:$0x1C100] =	vst v63  }
0x2c: {  	s31 =	simm.s32 $0x2100  }
0x2d: {  	[tilespmem:s31], [sflag:$0x1] =	stream.indirect_vreg.gather [hbm4b:s2+s3], $0x80, v3, vm0, $0xb8;
	[tilespmem:$0x1C100] =	vst v63  }
0x2e: {  	s4 =	simm.s32 $0x2900  }
0x2f: {  	[tilespmem:s4], [sflag:$0x1] =	stream.indirect_vreg.gather [hbm4b:s5+s3], $0x80, v3, vm0, $0xb8;
	[tilespmem:$0x1C100] =	vst v63  }
0x30: {  	s16 =	simm.s32 $0x3100  }
0x31: {  	[tilespmem:s16], [sflag:$0x1] =	stream.indirect_vreg.gather [hbm4b:s6+s3], $0x80, v3, vm0, $0xb8;
	[tilespmem:$0x1C100] =	vst v63  }
0x32: {  	s18 =	simm.s32 $0x3900  }
0x33: {  	[tilespmem:s18], [sflag:$0x1] =	stream.indirect_vreg.gather [hbm4b:s7+s3], $0x80, v3, vm0, $0xb8;
	[tilespmem:$0x1C100] =	vst v63  }
0x34: {  	v3 =	vld [tilespmem:$0x10];
	_ =	sdelay $0x4  }
0x35: {  	v49 =	vshll.u32 v3, $0x3  }
0x36: {  	v3 =	vand.u32 $0x7, v3;
	v4 =	vand.u32 $0xFFFFFFC0, v49  }
0x37: {  	v3 =	vor.u32 v3, v4  }
0x38: {  	v4 =	vperm.xlane v3, v0;
	_ =	sdelay $0x1  }
0x39: {  	v4 =	vadd.s32 v1, v4;
	_ =	sdelay $0x4  }
0x3a: {  	[tilespmem:s10], [sflag:$0x2] =	stream.indirect_vreg.gather [hbm4b:s2+s3], $0x80, v4, vm0, $0xb8;
	[tilespmem:$0x1C100] =	vst v63  }
0x3b: {  	s19 =	simm.s32 $0x4900;
	v3 =	vperm.xlane v3, v2  }
0x3c: {  	[tilespmem:s19], [sflag:$0x2] =	stream.indirect_vreg.gather [hbm4b:s5+s3], $0x80, v4, vm0, $0xb8;
	[tilespmem:$0x1C100] =	vst v63  }
0x3d: {  	s21 =	simm.s32 $0x5100;
	v3 =	vadd.s32 v1, v3  }
0x3e: {  	[tilespmem:s21], [sflag:$0x2] =	stream.indirect_vreg.gather [hbm4b:s6+s3], $0x80, v4, vm0, $0xb8;
	[tilespmem:$0x1C100] =	vst v63  }
0x3f: {  	s22 =	simm.s32 $0x5900  }
0x40: {  	[tilespmem:s22], [sflag:$0x2] =	stream.indirect_vreg.gather [hbm4b:s7+s3], $0x80, v4, vm0, $0xb8;
	[tilespmem:$0x1C100] =	vst v63  }
0x41: {  	s23 =	simm.s32 $0x6100  }
0x42: {  	[tilespmem:s23], [sflag:$0x2] =	stream.indirect_vreg.gather [hbm4b:s2+s3], $0x80, v3, vm0, $0xb8;
	[tilespmem:$0x1C100] =	vst v63  }
0x43: {  	s24 =	simm.s32 $0x6900  }
0x44: {  	[tilespmem:s24], [sflag:$0x2] =	stream.indirect_vreg.gather [hbm4b:s5+s3], $0x80, v3, vm0, $0xb8;
	[tilespmem:$0x1C100] =	vst v63  }
0x45: {  	s16 =	simm.s32 $0x7100  }
0x46: {  	[tilespmem:s16], [sflag:$0x2] =	stream.indirect_vreg.gather [hbm4b:s6+s3], $0x80, v3, vm0, $0xb8;
	[tilespmem:$0x1C100] =	vst v63  }
0x47: {  	s18 =	simm.s32 $0x7900  }
0x48: {  	[tilespmem:s18], [sflag:$0x2] =	stream.indirect_vreg.gather [hbm4b:s7+s3], $0x80, v3, vm0, $0xb8;
	[tilespmem:$0x1C100] =	vst v63  }
0x49: {  	v3 =	vld [tilespmem:$0x20];
	_ =	sdelay $0x4  }
0x4a: {  	v50 =	vshll.u32 v3, $0x3  }
0x4b: {  	v3 =	vand.u32 $0x7, v3;
	v4 =	vand.u32 $0xFFFFFFC0, v50  }
0x4c: {  	v3 =	vor.u32 v3, v4  }
0x4d: {  	v4 =	vperm.xlane v3, v0;
	_ =	sdelay $0x1  }
0x4e: {  	v4 =	vadd.s32 v1, v4;
	_ =	sdelay $0x4  }
0x4f: {  	[tilespmem:s15], [sflag:$0x3] =	stream.indirect_vreg.gather [hbm4b:s2+s3], $0x80, v4, vm0, $0xb8;
	[tilespmem:$0x1C100] =	vst v63  }
0x50: {  	v3 =	vperm.xlane v3, v2  }
0x51: {  	[tilespmem:s28], [sflag:$0x3] =	stream.indirect_vreg.gather [hbm4b:s5+s3], $0x80, v4, vm0, $0xb8;
	[tilespmem:$0x1C100] =	vst v63  }
0x52: {  	s16 =	simm.s32 $0x9100;
	v3 =	vadd.s32 v1, v3  }
0x53: {  	[tilespmem:s16], [sflag:$0x3] =	stream.indirect_vreg.gather [hbm4b:s6+s3], $0x80, v4, vm0, $0xb8;
	[tilespmem:$0x1C100] =	vst v63  }
0x54: {  	s18 =	simm.s32 $0x9900  }
0x55: {  	[tilespmem:s18], [sflag:$0x3] =	stream.indirect_vreg.gather [hbm4b:s7+s3], $0x80, v4, vm0, $0xb8;
	[tilespmem:$0x1C100] =	vst v63  }
0x56: {  	s23 =	simm.s32 $0xA100  }
0x57: {  	[tilespmem:s23], [sflag:$0x3] =	stream.indirect_vreg.gather [hbm4b:s2+s3], $0x80, v3, vm0, $0xb8;
	[tilespmem:$0x1C100] =	vst v63  }
0x58: {  	s24 =	simm.s32 $0xA900  }
0x59: {  	[tilespmem:s24], [sflag:$0x3] =	stream.indirect_vreg.gather [hbm4b:s5+s3], $0x80, v3, vm0, $0xb8;
	[tilespmem:$0x1C100] =	vst v63  }
0x5a: {  	_ = 	snop  }
0x5b: {  	[tilespmem:s25], [sflag:$0x3] =	stream.indirect_vreg.gather [hbm4b:s6+s3], $0x80, v3, vm0, $0xb8;
	[tilespmem:$0x1C100] =	vst v63  }
0x5c: {  	_ = 	snop  }
0x5d: {  	[tilespmem:s26], [sflag:$0x3] =	stream.indirect_vreg.gather [hbm4b:s7+s3], $0x80, v3, vm0, $0xb8;
	[tilespmem:$0x1C100] =	vst v63  }
0x5e: {  	v3 =	vld [tilespmem:$0x30];
	_ =	sdelay $0x4  }
0x5f: {  	v51 =	vshll.u32 v3, $0x3  }
0x60: {  	v3 =	vand.u32 $0x7, v3;
	v4 =	vand.u32 $0xFFFFFFC0, v51  }
0x61: {  	v3 =	vor.u32 v3, v4  }
0x62: {  	v4 =	vperm.xlane v3, v0;
	_ =	sdelay $0x1  }
0x63: {  	v4 =	vadd.s32 v1, v4;
	_ =	sdelay $0x4  }
0x64: {  	[tilespmem:s29], [sflag:$0x4] =	stream.indirect_vreg.gather [hbm4b:s2+s3], $0x80, v4, vm0, $0xb8;
	[tilespmem:$0x1C100] =	vst v63  }
0x65: {  	s21 =	simm.s32 $0xC900;
	v3 =	vperm.xlane v3, v2  }
0x66: {  	[tilespmem:s21], [sflag:$0x4] =	stream.indirect_vreg.gather [hbm4b:s5+s3], $0x80, v4, vm0, $0xb8;
	[tilespmem:$0x1C100] =	vst v63  }
0x67: {  	s19 =	simm.s32 $0xD100;
	v3 =	vadd.s32 v1, v3  }
0x68: {  	[tilespmem:s19], [sflag:$0x4] =	stream.indirect_vreg.gather [hbm4b:s6+s3], $0x80, v4, vm0, $0xb8;
	[tilespmem:$0x1C100] =	vst v63  }
0x69: {  	s22 =	simm.s32 $0xD900  }
0x6a: {  	[tilespmem:s22], [sflag:$0x4] =	stream.indirect_vreg.gather [hbm4b:s7+s3], $0x80, v4, vm0, $0xb8;
	[tilespmem:$0x1C100] =	vst v63  }
0x6b: {  	s19 =	simm.s32 $0xE100  }
0x6c: {  	[tilespmem:s19], [sflag:$0x4] =	stream.indirect_vreg.gather [hbm4b:s2+s3], $0x80, v3, vm0, $0xb8;
	[tilespmem:$0x1C100] =	vst v63  }
0x6d: {  	s22 =	simm.s32 $0xE900  }
0x6e: {  	[tilespmem:s22], [sflag:$0x4] =	stream.indirect_vreg.gather [hbm4b:s5+s3], $0x80, v3, vm0, $0xb8;
	[tilespmem:$0x1C100] =	vst v63  }
0x6f: {  	s19 =	simm.s32 $0xF100  }
0x70: {  	[tilespmem:s19], [sflag:$0x4] =	stream.indirect_vreg.gather [hbm4b:s6+s3], $0x80, v3, vm0, $0xb8;
	[tilespmem:$0x1C100] =	vst v63  }
0x71: {  	s19 =	simm.s32 $0xF900  }
0x72: {  	[tilespmem:s19], [sflag:$0x4] =	stream.indirect_vreg.gather [hbm4b:s7+s3], $0x80, v3, vm0, $0xb8;
	[tilespmem:$0x1C100] =	vst v63  }
0x73: {  	v3 =	vld [tilespmem:$0x40];
	_ =	sdelay $0x4  }
0x74: {  	v52 =	vshll.u32 v3, $0x3  }
0x75: {  	v3 =	vand.u32 $0x7, v3;
	v4 =	vand.u32 $0xFFFFFFC0, v52  }
0x76: {  	v3 =	vor.u32 v3, v4  }
0x77: {  	v4 =	vperm.xlane v3, v0;
	_ =	sdelay $0x1  }
0x78: {  	v4 =	vadd.s32 v1, v4;
	_ =	sdelay $0x4  }
0x79: {  	[tilespmem:s20], [sflag:$0x5] =	stream.indirect_vreg.gather [hbm4b:s2+s3], $0x80, v4, vm0, $0xb8;
	[tilespmem:$0x1C100] =	vst v63  }
0x7a: {  	s22 =	simm.s32 $0x10900;
	v3 =	vperm.xlane v3, v2  }
0x7b: {  	[tilespmem:s22], [sflag:$0x5] =	stream.indirect_vreg.gather [hbm4b:s5+s3], $0x80, v4, vm0, $0xb8;
	[tilespmem:$0x1C100] =	vst v63  }
0x7c: {  	v3 =	vadd.s32 v1, v3;
	s22 =	simm.s32 $0x11100  }
0x7d: {  	[tilespmem:s22], [sflag:$0x5] =	stream.indirect_vreg.gather [hbm4b:s6+s3], $0x80, v4, vm0, $0xb8;
	[tilespmem:$0x1C100] =	vst v63  }
0x7e: {  	s22 =	simm.s32 $0x11900  }
0x7f: {  	[tilespmem:s22], [sflag:$0x5] =	stream.indirect_vreg.gather [hbm4b:s7+s3], $0x80, v4, vm0, $0xb8;
	[tilespmem:$0x1C100] =	vst v63  }
0x80: {  	s22 =	simm.s32 $0x12100  }
0x81: {  	[tilespmem:s22], [sflag:$0x5] =	stream.indirect_vreg.gather [hbm4b:s2+s3], $0x80, v3, vm0, $0xb8;
	[tilespmem:$0x1C100] =	vst v63  }
0x82: {  	s22 =	simm.s32 $0x12900  }
0x83: {  	[tilespmem:s22], [sflag:$0x5] =	stream.indirect_vreg.gather [hbm4b:s5+s3], $0x80, v3, vm0, $0xb8;
	[tilespmem:$0x1C100] =	vst v63  }
0x84: {  	s22 =	simm.s32 $0x13100  }
0x85: {  	[tilespmem:s22], [sflag:$0x5] =	stream.indirect_vreg.gather [hbm4b:s6+s3], $0x80, v3, vm0, $0xb8;
	[tilespmem:$0x1C100] =	vst v63  }
0x86: {  	s22 =	simm.s32 $0x13900  }
0x87: {  	[tilespmem:s22], [sflag:$0x5] =	stream.indirect_vreg.gather [hbm4b:s7+s3], $0x80, v3, vm0, $0xb8;
	[tilespmem:$0x1C100] =	vst v63  }
0x88: {  	_ =	swait.ge [sflag:s17], $0x4000  }
0x89: {  	[sflag:s17] =	ssyncset.done $0x0  }
0x8a: {  	s0 =	rddreg [dreg:$0x14];
	[sflag:s17] =	ssyncadd.s32 $0xFFFFC000  }
0x8b: {  	[hbm4b:s0+s3] =	stream.linear.scatter [tilespmem:s13], [sflag:$0x8], $0x4000, $0x38;
	[tilespmem:$0x1C100] =	vst v63  }
0x8c: {  	v3 =	vld [tilespmem:$0x50];
	_ =	sdelay $0x4  }
0x8d: {  	v53 =	vshll.u32 v3, $0x3  }
0x8e: {  	v3 =	vand.u32 $0x7, v3;
	v4 =	vand.u32 $0xFFFFFFC0, v53  }
0x8f: {  	v3 =	vor.u32 v3, v4  }
0x90: {  	v4 =	vperm.xlane v3, v0;
	_ =	sdelay $0x1  }
0x91: {  	v4 =	vadd.s32 v1, v4;
	_ =	sdelay $0x4  }
0x92: {  	[tilespmem:s14], [sflag:$0x6] =	stream.indirect_vreg.gather [hbm4b:s2+s3], $0x80, v4, vm0, $0xb8;
	[tilespmem:$0x1C100] =	vst v63  }
0x93: {  	s22 =	simm.s32 $0x14900;
	v3 =	vperm.xlane v3, v2  }
0x94: {  	[tilespmem:s22], [sflag:$0x6] =	stream.indirect_vreg.gather [hbm4b:s5+s3], $0x80, v4, vm0, $0xb8;
	[tilespmem:$0x1C100] =	vst v63  }
0x95: {  	v3 =	vadd.s32 v1, v3;
	s22 =	simm.s32 $0x15100  }
0x96: {  	[tilespmem:s22], [sflag:$0x6] =	stream.indirect_vreg.gather [hbm4b:s6+s3], $0x80, v4, vm0, $0xb8;
	[tilespmem:$0x1C100] =	vst v63  }
0x97: {  	s22 =	simm.s32 $0x15900  }
0x98: {  	[tilespmem:s22], [sflag:$0x6] =	stream.indirect_vreg.gather [hbm4b:s7+s3], $0x80, v4, vm0, $0xb8;
	[tilespmem:$0x1C100] =	vst v63  }
0x99: {  	s22 =	simm.s32 $0x16100  }
0x9a: {  	[tilespmem:s22], [sflag:$0x6] =	stream.indirect_vreg.gather [hbm4b:s2+s3], $0x80, v3, vm0, $0xb8;
	[tilespmem:$0x1C100] =	vst v63  }
0x9b: {  	s22 =	simm.s32 $0x16900  }
0x9c: {  	[tilespmem:s22], [sflag:$0x6] =	stream.indirect_vreg.gather [hbm4b:s5+s3], $0x80, v3, vm0, $0xb8;
	[tilespmem:$0x1C100] =	vst v63  }
0x9d: {  	s22 =	simm.s32 $0x17100  }
0x9e: {  	[tilespmem:s22], [sflag:$0x6] =	stream.indirect_vreg.gather [hbm4b:s6+s3], $0x80, v3, vm0, $0xb8;
	[tilespmem:$0x1C100] =	vst v63  }
0x9f: {  	s22 =	simm.s32 $0x17900  }
0xa0: {  	[tilespmem:s22], [sflag:$0x6] =	stream.indirect_vreg.gather [hbm4b:s7+s3], $0x80, v3, vm0, $0xb8;
	[tilespmem:$0x1C100] =	vst v63  }
0xa1: {  	_ =	swait.ge [sflag:s30], $0x4000  }
0xa2: {  	[sflag:s30] =	ssyncset.done $0x0  }
0xa3: {  	s0 =	rddreg [dreg:$0x5];
	[sflag:s30] =	ssyncadd.s32 $0xFFFFC000  }
0xa4: {  	[hbm4b:s0+s3] =	stream.linear.scatter [tilespmem:s10], [sflag:$0x9], $0x4000, $0x38;
	[tilespmem:$0x1C100] =	vst v63  }
0xa5: {  	v3 =	vld [tilespmem:$0x60];
	_ =	sdelay $0x4  }
0xa6: {  	v54 =	vshll.u32 v3, $0x3  }
0xa7: {  	v3 =	vand.u32 $0x7, v3;
	v4 =	vand.u32 $0xFFFFFFC0, v54  }
0xa8: {  	v3 =	vor.u32 v3, v4  }
0xa9: {  	v4 =	vperm.xlane v3, v0;
	_ =	sdelay $0x1  }
0xaa: {  	v4 =	vadd.s32 v1, v4;
	_ =	sdelay $0x4  }
0xab: {  	[tilespmem:s11], [sflag:$0x7] =	stream.indirect_vreg.gather [hbm4b:s2+s3], $0x80, v4, vm0, $0xb8;
	[tilespmem:$0x1C100] =	vst v63  }
0xac: {  	s22 =	simm.s32 $0x18900;
	v3 =	vperm.xlane v3, v2  }
0xad: {  	[tilespmem:s22], [sflag:$0x7] =	stream.indirect_vreg.gather [hbm4b:s5+s3], $0x80, v4, vm0, $0xb8;
	[tilespmem:$0x1C100] =	vst v63  }
0xae: {  	v3 =	vadd.s32 v1, v3;
	s22 =	simm.s32 $0x19100  }
0xaf: {  	[tilespmem:s22], [sflag:$0x7] =	stream.indirect_vreg.gather [hbm4b:s6+s3], $0x80, v4, vm0, $0xb8;
	[tilespmem:$0x1C100] =	vst v63  }
0xb0: {  	s22 =	simm.s32 $0x19900  }
0xb1: {  	[tilespmem:s22], [sflag:$0x7] =	stream.indirect_vreg.gather [hbm4b:s7+s3], $0x80, v4, vm0, $0xb8;
	[tilespmem:$0x1C100] =	vst v63  }
0xb2: {  	s22 =	simm.s32 $0x1A100  }
0xb3: {  	[tilespmem:s22], [sflag:$0x7] =	stream.indirect_vreg.gather [hbm4b:s2+s3], $0x80, v3, vm0, $0xb8;
	[tilespmem:$0x1C100] =	vst v63  }
0xb4: {  	s22 =	simm.s32 $0x1A900  }
0xb5: {  	[tilespmem:s22], [sflag:$0x7] =	stream.indirect_vreg.gather [hbm4b:s5+s3], $0x80, v3, vm0, $0xb8;
	[tilespmem:$0x1C100] =	vst v63  }
0xb6: {  	s22 =	simm.s32 $0x1B100  }
0xb7: {  	[tilespmem:s22], [sflag:$0x7] =	stream.indirect_vreg.gather [hbm4b:s6+s3], $0x80, v3, vm0, $0xb8;
	[tilespmem:$0x1C100] =	vst v63  }
0xb8: {  	s0 =	simm.s32 $0x3;
	s22 =	simm.s32 $0x1B900  }
0xb9: {  	[tilespmem:s22], [sflag:$0x7] =	stream.indirect_vreg.gather [hbm4b:s7+s3], $0x80, v3, vm0, $0xb8;
	[tilespmem:$0x1C100] =	vst v63  }
0xba: {  	_ =	swait.ge [sflag:s0], $0x4000  }
0xbb: {  	[sflag:s0] =	ssyncset.done $0x0  }
0xbc: {  	s22 =	rddreg [dreg:$0x6];
	[sflag:s0] =	ssyncadd.s32 $0xFFFFC000  }
0xbd: {  	[hbm4b:s22+s3] =	stream.linear.scatter [tilespmem:s15], [sflag:$0xA], $0x4000, $0x38;
	[tilespmem:$0x1C100] =	vst v63  }
0xbe: {  	_ =	swait.ge [sflag:s9], $0x4000  }
0xbf: {  	[sflag:s9] =	ssyncset.done $0x0  }
0xc0: {  	[sflag:s9] =	ssyncadd.s32 $0xFFFFC000  }
0xc1: {  	v3 =	vld [tilespmem:$0x70];
	_ =	sdelay $0x4  }
0xc2: {  	v55 =	vshll.u32 v3, $0x3  }
0xc3: {  	v3 =	vand.u32 $0x7, v3;
	v4 =	vand.u32 $0xFFFFFFC0, v55  }
0xc4: {  	v3 =	vor.u32 v3, v4  }
0xc5: {  	v4 =	vperm.xlane v3, v0;
	_ =	sdelay $0x1  }
0xc6: {  	v4 =	vadd.s32 v1, v4;
	_ =	sdelay $0x4  }
0xc7: {  	[tilespmem:s13], [sflag:$0x1] =	stream.indirect_vreg.gather [hbm4b:s2+s3], $0x80, v4, vm0, $0xb8;
	[tilespmem:$0x1C100] =	vst v63  }
0xc8: {  	s1 =	simm.s32 $0x900;
	v3 =	vperm.xlane v3, v2  }
0xc9: {  	[tilespmem:s1], [sflag:$0x1] =	stream.indirect_vreg.gather [hbm4b:s5+s3], $0x80, v4, vm0, $0xb8;
	[tilespmem:$0x1C100] =	vst v63  }
0xca: {  	s22 =	simm.s32 $0x1100;
	v3 =	vadd.s32 v1, v3  }
0xcb: {  	[tilespmem:s22], [sflag:$0x1] =	stream.indirect_vreg.gather [hbm4b:s6+s3], $0x80, v4, vm0, $0xb8;
	[tilespmem:$0x1C100] =	vst v63  }
0xcc: {  	s22 =	simm.s32 $0x1900  }
0xcd: {  	[tilespmem:s22], [sflag:$0x1] =	stream.indirect_vreg.gather [hbm4b:s7+s3], $0x80, v4, vm0, $0xb8;
	[tilespmem:$0x1C100] =	vst v63  }
0xce: {  	s31 =	simm.s32 $0x2100  }
0xcf: {  	[tilespmem:s31], [sflag:$0x1] =	stream.indirect_vreg.gather [hbm4b:s2+s3], $0x80, v3, vm0, $0xb8;
	[tilespmem:$0x1C100] =	vst v63  }
0xd0: {  	s22 =	simm.s32 $0x2900  }
0xd1: {  	[tilespmem:s22], [sflag:$0x1] =	stream.indirect_vreg.gather [hbm4b:s5+s3], $0x80, v3, vm0, $0xb8;
	[tilespmem:$0x1C100] =	vst v63  }
0xd2: {  	s31 =	simm.s32 $0x3100  }
0xd3: {  	[tilespmem:s31], [sflag:$0x1] =	stream.indirect_vreg.gather [hbm4b:s6+s3], $0x80, v3, vm0, $0xb8;
	[tilespmem:$0x1C100] =	vst v63  }
0xd4: {  	s4 =	simm.s32 $0x3900;
	s1 =	simm.s32 $0x4  }
0xd5: {  	[tilespmem:s4], [sflag:$0x1] =	stream.indirect_vreg.gather [hbm4b:s7+s3], $0x80, v3, vm0, $0xb8;
	[tilespmem:$0x1C100] =	vst v63  }
0xd6: {  	_ =	swait.ge [sflag:s1], $0x4000  }
0xd7: {  	[sflag:s1] =	ssyncset.done $0x0  }
0xd8: {  	s4 =	rddreg [dreg:$0x7];
	[sflag:s1] =	ssyncadd.s32 $0xFFFFC000  }
0xd9: {  	[hbm4b:s4+s3] =	stream.linear.scatter [tilespmem:s29], [sflag:$0xB], $0x4000, $0x38;
	[tilespmem:$0x1C100] =	vst v63  }
0xda: {  	_ =	swait.ge [sflag:s12], $0x4000  }
0xdb: {  	[sflag:s12] =	ssyncset.done $0x0  }
0xdc: {  	[sflag:s12] =	ssyncadd.s32 $0xFFFFC000  }
0xdd: {  	v3 =	vld [tilespmem:$0x80];
	_ =	sdelay $0x4  }
0xde: {  	v56 =	vshll.u32 v3, $0x3  }
0xdf: {  	v3 =	vand.u32 $0x7, v3;
	v4 =	vand.u32 $0xFFFFFFC0, v56  }
0xe0: {  	v3 =	vor.u32 v3, v4  }
0xe1: {  	v4 =	vperm.xlane v3, v0;
	_ =	sdelay $0x1  }
0xe2: {  	v4 =	vadd.s32 v1, v4;
	_ =	sdelay $0x4  }
0xe3: {  	[tilespmem:s10], [sflag:$0x2] =	stream.indirect_vreg.gather [hbm4b:s2+s3], $0x80, v4, vm0, $0xb8;
	[tilespmem:$0x1C100] =	vst v63  }
0xe4: {  	s22 =	simm.s32 $0x4900;
	v3 =	vperm.xlane v3, v2  }
0xe5: {  	[tilespmem:s22], [sflag:$0x2] =	stream.indirect_vreg.gather [hbm4b:s5+s3], $0x80, v4, vm0, $0xb8;
	[tilespmem:$0x1C100] =	vst v63  }
0xe6: {  	s31 =	simm.s32 $0x5100;
	v3 =	vadd.s32 v1, v3  }
0xe7: {  	[tilespmem:s31], [sflag:$0x2] =	stream.indirect_vreg.gather [hbm4b:s6+s3], $0x80, v4, vm0, $0xb8;
	[tilespmem:$0x1C100] =	vst v63  }
0xe8: {  	s22 =	simm.s32 $0x5900  }
0xe9: {  	[tilespmem:s22], [sflag:$0x2] =	stream.indirect_vreg.gather [hbm4b:s7+s3], $0x80, v4, vm0, $0xb8;
	[tilespmem:$0x1C100] =	vst v63  }
0xea: {  	s31 =	simm.s32 $0x6100  }
0xeb: {  	[tilespmem:s31], [sflag:$0x2] =	stream.indirect_vreg.gather [hbm4b:s2+s3], $0x80, v3, vm0, $0xb8;
	[tilespmem:$0x1C100] =	vst v63  }
0xec: {  	s22 =	simm.s32 $0x6900  }
0xed: {  	[tilespmem:s22], [sflag:$0x2] =	stream.indirect_vreg.gather [hbm4b:s5+s3], $0x80, v3, vm0, $0xb8;
	[tilespmem:$0x1C100] =	vst v63  }
0xee: {  	s31 =	simm.s32 $0x7100  }
0xef: {  	[tilespmem:s31], [sflag:$0x2] =	stream.indirect_vreg.gather [hbm4b:s6+s3], $0x80, v3, vm0, $0xb8;
	[tilespmem:$0x1C100] =	vst v63  }
0xf0: {  	s4 =	simm.s32 $0x5;
	s22 =	simm.s32 $0x7900  }
0xf1: {  	[tilespmem:s22], [sflag:$0x2] =	stream.indirect_vreg.gather [hbm4b:s7+s3], $0x80, v3, vm0, $0xb8;
	[tilespmem:$0x1C100] =	vst v63  }
0xf2: {  	_ =	swait.ge [sflag:s4], $0x4000  }
0xf3: {  	[sflag:s4] =	ssyncset.done $0x0  }
0xf4: {  	s31 =	rddreg [dreg:$0x8];
	[sflag:s4] =	ssyncadd.s32 $0xFFFFC000  }
0xf5: {  	[hbm4b:s31+s3] =	stream.linear.scatter [tilespmem:s20], [sflag:$0xC], $0x4000, $0x38;
	[tilespmem:$0x1C100] =	vst v63  }
0xf6: {  	s31 =	simm.s32 $0xA  }
0xf7: {  	_ =	swait.ge [sflag:s31], $0x4000  }
0xf8: {  	[sflag:s31] =	ssyncset.done $0x0  }
0xf9: {  	[sflag:s31] =	ssyncadd.s32 $0xFFFFC000  }
0xfa: {  	v3 =	vld [tilespmem:$0x90];
	_ =	sdelay $0x4  }
0xfb: {  	v57 =	vshll.u32 v3, $0x3  }
0xfc: {  	v3 =	vand.u32 $0x7, v3;
	v4 =	vand.u32 $0xFFFFFFC0, v57  }
0xfd: {  	v3 =	vor.u32 v3, v4  }
0xfe: {  	v4 =	vperm.xlane v3, v0;
	_ =	sdelay $0x1  }
0xff: {  	v4 =	vadd.s32 v1, v4;
	_ =	sdelay $0x4  }
0x100: {  	[tilespmem:s15], [sflag:$0x3] =	stream.indirect_vreg.gather [hbm4b:s2+s3], $0x80, v4, vm0, $0xb8;
	[tilespmem:$0x1C100] =	vst v63  }
0x101: {  	v3 =	vperm.xlane v3, v2  }
0x102: {  	[tilespmem:s28], [sflag:$0x3] =	stream.indirect_vreg.gather [hbm4b:s5+s3], $0x80, v4, vm0, $0xb8;
	[tilespmem:$0x1C100] =	vst v63  }
0x103: {  	v3 =	vadd.s32 v1, v3  }
0x104: {  	[tilespmem:s16], [sflag:$0x3] =	stream.indirect_vreg.gather [hbm4b:s6+s3], $0x80, v4, vm0, $0xb8;
	[tilespmem:$0x1C100] =	vst v63  }
0x105: {  	_ = 	snop  }
0x106: {  	[tilespmem:s18], [sflag:$0x3] =	stream.indirect_vreg.gather [hbm4b:s7+s3], $0x80, v4, vm0, $0xb8;
	[tilespmem:$0x1C100] =	vst v63  }
0x107: {  	_ = 	snop  }
0x108: {  	[tilespmem:s23], [sflag:$0x3] =	stream.indirect_vreg.gather [hbm4b:s2+s3], $0x80, v3, vm0, $0xb8;
	[tilespmem:$0x1C100] =	vst v63  }
0x109: {  	_ = 	snop  }
0x10a: {  	[tilespmem:s24], [sflag:$0x3] =	stream.indirect_vreg.gather [hbm4b:s5+s3], $0x80, v3, vm0, $0xb8;
	[tilespmem:$0x1C100] =	vst v63  }
0x10b: {  	_ = 	snop  }
0x10c: {  	[tilespmem:s25], [sflag:$0x3] =	stream.indirect_vreg.gather [hbm4b:s6+s3], $0x80, v3, vm0, $0xb8;
	[tilespmem:$0x1C100] =	vst v63  }
0x10d: {  	s16 =	simm.s32 $0x6  }
0x10e: {  	[tilespmem:s26], [sflag:$0x3] =	stream.indirect_vreg.gather [hbm4b:s7+s3], $0x80, v3, vm0, $0xb8;
	[tilespmem:$0x1C100] =	vst v63  }
0x10f: {  	_ =	swait.ge [sflag:s16], $0x4000  }
0x110: {  	[sflag:s16] =	ssyncset.done $0x0  }
0x111: {  	s18 =	simm.s32 $0xB;
	s23 =	rddreg [dreg:$0x9];
	[sflag:s16] =	ssyncadd.s32 $0xFFFFC000  }
0x112: {  	[hbm4b:s23+s3] =	stream.linear.scatter [tilespmem:s14], [sflag:$0xD], $0x4000, $0x38;
	[tilespmem:$0x1C100] =	vst v63  }
0x113: {  	_ =	swait.ge [sflag:s18], $0x4000  }
0x114: {  	[sflag:s18] =	ssyncset.done $0x0  }
0x115: {  	[sflag:s18] =	ssyncadd.s32 $0xFFFFC000  }
0x116: {  	v3 =	vld [tilespmem:$0xA0];
	_ =	sdelay $0x4  }
0x117: {  	v58 =	vshll.u32 v3, $0x3  }
0x118: {  	v3 =	vand.u32 $0x7, v3;
	v4 =	vand.u32 $0xFFFFFFC0, v58  }
0x119: {  	v3 =	vor.u32 v3, v4  }
0x11a: {  	v4 =	vperm.xlane v3, v0;
	_ =	sdelay $0x1  }
0x11b: {  	v4 =	vadd.s32 v1, v4;
	_ =	sdelay $0x4  }
0x11c: {  	[tilespmem:s29], [sflag:$0x4] =	stream.indirect_vreg.gather [hbm4b:s2+s3], $0x80, v4, vm0, $0xb8;
	[tilespmem:$0x1C100] =	vst v63  }
0x11d: {  	v3 =	vperm.xlane v3, v2  }
0x11e: {  	[tilespmem:s21], [sflag:$0x4] =	stream.indirect_vreg.gather [hbm4b:s5+s3], $0x80, v4, vm0, $0xb8;
	[tilespmem:$0x1C100] =	vst v63  }
0x11f: {  	s24 =	simm.s32 $0xD100;
	v3 =	vadd.s32 v1, v3  }
0x120: {  	[tilespmem:s24], [sflag:$0x4] =	stream.indirect_vreg.gather [hbm4b:s6+s3], $0x80, v4, vm0, $0xb8;
	[tilespmem:$0x1C100] =	vst v63  }
0x121: {  	s22 =	simm.s32 $0xD900  }
0x122: {  	[tilespmem:s22], [sflag:$0x4] =	stream.indirect_vreg.gather [hbm4b:s7+s3], $0x80, v4, vm0, $0xb8;
	[tilespmem:$0x1C100] =	vst v63  }
0x123: {  	s23 =	simm.s32 $0xE100  }
0x124: {  	[tilespmem:s23], [sflag:$0x4] =	stream.indirect_vreg.gather [hbm4b:s2+s3], $0x80, v3, vm0, $0xb8;
	[tilespmem:$0x1C100] =	vst v63  }
0x125: {  	s24 =	simm.s32 $0xE900  }
0x126: {  	[tilespmem:s24], [sflag:$0x4] =	stream.indirect_vreg.gather [hbm4b:s5+s3], $0x80, v3, vm0, $0xb8;
	[tilespmem:$0x1C100] =	vst v63  }
0x127: {  	s22 =	simm.s32 $0xF100  }
0x128: {  	[tilespmem:s22], [sflag:$0x4] =	stream.indirect_vreg.gather [hbm4b:s6+s3], $0x80, v3, vm0, $0xb8;
	[tilespmem:$0x1C100] =	vst v63  }
0x129: {  	_ = 	snop  }
0x12a: {  	[tilespmem:s19], [sflag:$0x4] =	stream.indirect_vreg.gather [hbm4b:s7+s3], $0x80, v3, vm0, $0xb8;
	[tilespmem:$0x1C100] =	vst v63  }
0x12b: {  	s19 =	simm.s32 $0x7  }
0x12c: {  	_ =	swait.ge [sflag:s19], $0x4000  }
0x12d: {  	[sflag:s19] =	ssyncset.done $0x0  }
0x12e: {  	s21 =	simm.s32 $0xC;
	s23 =	rddreg [dreg:$0xa];
	[sflag:s19] =	ssyncadd.s32 $0xFFFFC000  }
0x12f: {  	[hbm4b:s23+s3] =	stream.linear.scatter [tilespmem:s11], [sflag:$0xE], $0x4000, $0x38;
	[tilespmem:$0x1C100] =	vst v63  }
0x130: {  	_ =	swait.ge [sflag:s21], $0x4000  }
0x131: {  	[sflag:s21] =	ssyncset.done $0x0  }
0x132: {  	[sflag:s21] =	ssyncadd.s32 $0xFFFFC000  }
0x133: {  	v3 =	vld [tilespmem:$0xB0];
	_ =	sdelay $0x4  }
0x134: {  	v59 =	vshll.u32 v3, $0x3  }
0x135: {  	v3 =	vand.u32 $0x7, v3;
	v4 =	vand.u32 $0xFFFFFFC0, v59  }
0x136: {  	v3 =	vor.u32 v3, v4  }
0x137: {  	v4 =	vperm.xlane v3, v0;
	_ =	sdelay $0x1  }
0x138: {  	v4 =	vadd.s32 v1, v4;
	_ =	sdelay $0x4  }
0x139: {  	[tilespmem:s20], [sflag:$0x5] =	stream.indirect_vreg.gather [hbm4b:s2+s3], $0x80, v4, vm0, $0xb8;
	[tilespmem:$0x1C100] =	vst v63  }
0x13a: {  	s24 =	simm.s32 $0x10900;
	v3 =	vperm.xlane v3, v2  }
0x13b: {  	[tilespmem:s24], [sflag:$0x5] =	stream.indirect_vreg.gather [hbm4b:s5+s3], $0x80, v4, vm0, $0xb8;
	[tilespmem:$0x1C100] =	vst v63  }
0x13c: {  	s23 =	simm.s32 $0x11100;
	v3 =	vadd.s32 v1, v3  }
0x13d: {  	[tilespmem:s23], [sflag:$0x5] =	stream.indirect_vreg.gather [hbm4b:s6+s3], $0x80, v4, vm0, $0xb8;
	[tilespmem:$0x1C100] =	vst v63  }
0x13e: {  	s24 =	simm.s32 $0x11900  }
0x13f: {  	[tilespmem:s24], [sflag:$0x5] =	stream.indirect_vreg.gather [hbm4b:s7+s3], $0x80, v4, vm0, $0xb8;
	[tilespmem:$0x1C100] =	vst v63  }
0x140: {  	s23 =	simm.s32 $0x12100  }
0x141: {  	[tilespmem:s23], [sflag:$0x5] =	stream.indirect_vreg.gather [hbm4b:s2+s3], $0x80, v3, vm0, $0xb8;
	[tilespmem:$0x1C100] =	vst v63  }
0x142: {  	s24 =	simm.s32 $0x12900  }
0x143: {  	[tilespmem:s24], [sflag:$0x5] =	stream.indirect_vreg.gather [hbm4b:s5+s3], $0x80, v3, vm0, $0xb8;
	[tilespmem:$0x1C100] =	vst v63  }
0x144: {  	s23 =	simm.s32 $0x13100  }
0x145: {  	[tilespmem:s23], [sflag:$0x5] =	stream.indirect_vreg.gather [hbm4b:s6+s3], $0x80, v3, vm0, $0xb8;
	[tilespmem:$0x1C100] =	vst v63  }
0x146: {  	s24 =	simm.s32 $0x13900  }
0x147: {  	[tilespmem:s24], [sflag:$0x5] =	stream.indirect_vreg.gather [hbm4b:s7+s3], $0x80, v3, vm0, $0xb8;
	[tilespmem:$0x1C100] =	vst v63  }
0x148: {  	_ =	swait.ge [sflag:s17], $0x4000  }
0x149: {  	[sflag:s17] =	ssyncset.done $0x0  }
0x14a: {  	s23 =	rddreg [dreg:$0xb];
	[sflag:s17] =	ssyncadd.s32 $0xFFFFC000  }
0x14b: {  	[hbm4b:s23+s3] =	stream.linear.scatter [tilespmem:s13], [sflag:$0x8], $0x4000, $0x38;
	[tilespmem:$0x1C100] =	vst v63  }
0x14c: {  	s23 =	simm.s32 $0xD  }
0x14d: {  	_ =	swait.ge [sflag:s23], $0x4000  }
0x14e: {  	[sflag:s23] =	ssyncset.done $0x0  }
0x14f: {  	[sflag:s23] =	ssyncadd.s32 $0xFFFFC000  }
0x150: {  	v3 =	vld [tilespmem:$0xC0];
	_ =	sdelay $0x4  }
0x151: {  	v60 =	vshll.u32 v3, $0x3  }
0x152: {  	v3 =	vand.u32 $0x7, v3;
	v4 =	vand.u32 $0xFFFFFFC0, v60  }
0x153: {  	v3 =	vor.u32 v3, v4  }
0x154: {  	v4 =	vperm.xlane v3, v0;
	_ =	sdelay $0x1  }
0x155: {  	v4 =	vadd.s32 v1, v4;
	_ =	sdelay $0x4  }
0x156: {  	[tilespmem:s14], [sflag:$0x6] =	stream.indirect_vreg.gather [hbm4b:s2+s3], $0x80, v4, vm0, $0xb8;
	[tilespmem:$0x1C100] =	vst v63  }
0x157: {  	s24 =	simm.s32 $0x14900;
	v3 =	vperm.xlane v3, v2  }
0x158: {  	[tilespmem:s24], [sflag:$0x6] =	stream.indirect_vreg.gather [hbm4b:s5+s3], $0x80, v4, vm0, $0xb8;
	[tilespmem:$0x1C100] =	vst v63  }
0x159: {  	v3 =	vadd.s32 v1, v3;
	s24 =	simm.s32 $0x15100  }
0x15a: {  	[tilespmem:s24], [sflag:$0x6] =	stream.indirect_vreg.gather [hbm4b:s6+s3], $0x80, v4, vm0, $0xb8;
	[tilespmem:$0x1C100] =	vst v63  }
0x15b: {  	s24 =	simm.s32 $0x15900  }
0x15c: {  	[tilespmem:s24], [sflag:$0x6] =	stream.indirect_vreg.gather [hbm4b:s7+s3], $0x80, v4, vm0, $0xb8;
	[tilespmem:$0x1C100] =	vst v63  }
0x15d: {  	s24 =	simm.s32 $0x16100  }
0x15e: {  	[tilespmem:s24], [sflag:$0x6] =	stream.indirect_vreg.gather [hbm4b:s2+s3], $0x80, v3, vm0, $0xb8;
	[tilespmem:$0x1C100] =	vst v63  }
0x15f: {  	s24 =	simm.s32 $0x16900  }
0x160: {  	[tilespmem:s24], [sflag:$0x6] =	stream.indirect_vreg.gather [hbm4b:s5+s3], $0x80, v3, vm0, $0xb8;
	[tilespmem:$0x1C100] =	vst v63  }
0x161: {  	s24 =	simm.s32 $0x17100  }
0x162: {  	[tilespmem:s24], [sflag:$0x6] =	stream.indirect_vreg.gather [hbm4b:s6+s3], $0x80, v3, vm0, $0xb8;
	[tilespmem:$0x1C100] =	vst v63  }
0x163: {  	s24 =	simm.s32 $0x17900  }
0x164: {  	[tilespmem:s24], [sflag:$0x6] =	stream.indirect_vreg.gather [hbm4b:s7+s3], $0x80, v3, vm0, $0xb8;
	[tilespmem:$0x1C100] =	vst v63  }
0x165: {  	_ =	swait.ge [sflag:s30], $0x4000  }
0x166: {  	[sflag:s30] =	ssyncset.done $0x0  }
0x167: {  	s24 =	rddreg [dreg:$0xc];
	[sflag:s30] =	ssyncadd.s32 $0xFFFFC000  }
0x168: {  	[hbm4b:s24+s3] =	stream.linear.scatter [tilespmem:s10], [sflag:$0x9], $0x4000, $0x38;
	[tilespmem:$0x1C100] =	vst v63  }
0x169: {  	s24 =	simm.s32 $0xE  }
0x16a: {  	_ =	swait.ge [sflag:s24], $0x4000  }
0x16b: {  	[sflag:s24] =	ssyncset.done $0x0  }
0x16c: {  	[sflag:s24] =	ssyncadd.s32 $0xFFFFC000  }
0x16d: {  	v3 =	vld [tilespmem:$0xD0];
	_ =	sdelay $0x4  }
0x16e: {  	v61 =	vshll.u32 v3, $0x3  }
0x16f: {  	v3 =	vand.u32 $0x7, v3;
	v4 =	vand.u32 $0xFFFFFFC0, v61  }
0x170: {  	v3 =	vor.u32 v3, v4  }
0x171: {  	v4 =	vperm.xlane v3, v0;
	_ =	sdelay $0x1  }
0x172: {  	v4 =	vadd.s32 v1, v4;
	_ =	sdelay $0x4  }
0x173: {  	[tilespmem:s11], [sflag:$0x7] =	stream.indirect_vreg.gather [hbm4b:s2+s3], $0x80, v4, vm0, $0xb8;
	[tilespmem:$0x1C100] =	vst v63  }
0x174: {  	s22 =	simm.s32 $0x18900;
	v3 =	vperm.xlane v3, v2  }
0x175: {  	[tilespmem:s22], [sflag:$0x7] =	stream.indirect_vreg.gather [hbm4b:s5+s3], $0x80, v4, vm0, $0xb8;
	[tilespmem:$0x1C100] =	vst v63  }
0x176: {  	v3 =	vadd.s32 v1, v3;
	s22 =	simm.s32 $0x19100  }
0x177: {  	[tilespmem:s22], [sflag:$0x7] =	stream.indirect_vreg.gather [hbm4b:s6+s3], $0x80, v4, vm0, $0xb8;
	[tilespmem:$0x1C100] =	vst v63  }
0x178: {  	s22 =	simm.s32 $0x19900  }
0x179: {  	[tilespmem:s22], [sflag:$0x7] =	stream.indirect_vreg.gather [hbm4b:s7+s3], $0x80, v4, vm0, $0xb8;
	[tilespmem:$0x1C100] =	vst v63  }
0x17a: {  	s22 =	simm.s32 $0x1A100  }
0x17b: {  	[tilespmem:s22], [sflag:$0x7] =	stream.indirect_vreg.gather [hbm4b:s2+s3], $0x80, v3, vm0, $0xb8;
	[tilespmem:$0x1C100] =	vst v63  }
0x17c: {  	s22 =	simm.s32 $0x1A900  }
0x17d: {  	[tilespmem:s22], [sflag:$0x7] =	stream.indirect_vreg.gather [hbm4b:s5+s3], $0x80, v3, vm0, $0xb8;
	[tilespmem:$0x1C100] =	vst v63  }
0x17e: {  	s22 =	simm.s32 $0x1B100  }
0x17f: {  	[tilespmem:s22], [sflag:$0x7] =	stream.indirect_vreg.gather [hbm4b:s6+s3], $0x80, v3, vm0, $0xb8;
	[tilespmem:$0x1C100] =	vst v63  }
0x180: {  	s22 =	simm.s32 $0x1B900  }
0x181: {  	[tilespmem:s22], [sflag:$0x7] =	stream.indirect_vreg.gather [hbm4b:s7+s3], $0x80, v3, vm0, $0xb8;
	[tilespmem:$0x1C100] =	vst v63  }
0x182: {  	_ =	swait.ge [sflag:s0], $0x4000  }
0x183: {  	[sflag:s0] =	ssyncset.done $0x0  }
0x184: {  	s22 =	rddreg [dreg:$0xd];
	[sflag:s0] =	ssyncadd.s32 $0xFFFFC000  }
0x185: {  	[hbm4b:s22+s3] =	stream.linear.scatter [tilespmem:s15], [sflag:$0xA], $0x4000, $0x38;
	[tilespmem:$0x1C100] =	vst v63  }
0x186: {  	_ =	swait.ge [sflag:s9], $0x4000  }
0x187: {  	[sflag:s9] =	ssyncset.done $0x0  }
0x188: {  	[sflag:s9] =	ssyncadd.s32 $0xFFFFC000  }
0x189: {  	v3 =	vld [tilespmem:$0xE0];
	_ =	sdelay $0x4  }
0x18a: {  	v62 =	vshll.u32 v3, $0x3  }
0x18b: {  	v3 =	vand.u32 $0x7, v3;
	v4 =	vand.u32 $0xFFFFFFC0, v62  }
0x18c: {  	v3 =	vor.u32 v3, v4  }
0x18d: {  	v4 =	vperm.xlane v3, v0;
	_ =	sdelay $0x1  }
0x18e: {  	v4 =	vadd.s32 v1, v4;
	_ =	sdelay $0x4  }
0x18f: {  	[tilespmem:s13], [sflag:$0x1] =	stream.indirect_vreg.gather [hbm4b:s2+s3], $0x80, v4, vm0, $0xb8;
	[tilespmem:$0x1C100] =	vst v63  }
0x190: {  	s22 =	simm.s32 $0x900;
	v3 =	vperm.xlane v3, v2  }
0x191: {  	[tilespmem:s22], [sflag:$0x1] =	stream.indirect_vreg.gather [hbm4b:s5+s3], $0x80, v4, vm0, $0xb8;
	[tilespmem:$0x1C100] =	vst v63  }
0x192: {  	v3 =	vadd.s32 v1, v3;
	s22 =	simm.s32 $0x1100  }
0x193: {  	[tilespmem:s22], [sflag:$0x1] =	stream.indirect_vreg.gather [hbm4b:s6+s3], $0x80, v4, vm0, $0xb8;
	[tilespmem:$0x1C100] =	vst v63  }
0x194: {  	s22 =	simm.s32 $0x1900  }
0x195: {  	[tilespmem:s22], [sflag:$0x1] =	stream.indirect_vreg.gather [hbm4b:s7+s3], $0x80, v4, vm0, $0xb8;
	[tilespmem:$0x1C100] =	vst v63  }
0x196: {  	s22 =	simm.s32 $0x2100  }
0x197: {  	[tilespmem:s22], [sflag:$0x1] =	stream.indirect_vreg.gather [hbm4b:s2+s3], $0x80, v3, vm0, $0xb8;
	[tilespmem:$0x1C100] =	vst v63  }
0x198: {  	s22 =	simm.s32 $0x2900  }
0x199: {  	[tilespmem:s22], [sflag:$0x1] =	stream.indirect_vreg.gather [hbm4b:s5+s3], $0x80, v3, vm0, $0xb8;
	[tilespmem:$0x1C100] =	vst v63  }
0x19a: {  	s22 =	simm.s32 $0x3100  }
0x19b: {  	[tilespmem:s22], [sflag:$0x1] =	stream.indirect_vreg.gather [hbm4b:s6+s3], $0x80, v3, vm0, $0xb8;
	[tilespmem:$0x1C100] =	vst v63  }
0x19c: {  	s22 =	simm.s32 $0x3900  }
0x19d: {  	[tilespmem:s22], [sflag:$0x1] =	stream.indirect_vreg.gather [hbm4b:s7+s3], $0x80, v3, vm0, $0xb8;
	[tilespmem:$0x1C100] =	vst v63  }
0x19e: {  	_ =	swait.ge [sflag:s1], $0x4000  }
0x19f: {  	[sflag:s1] =	ssyncset.done $0x0  }
0x1a0: {  	s0 =	rddreg [dreg:$0xe];
	[sflag:s1] =	ssyncadd.s32 $0xFFFFC000  }
0x1a1: {  	[hbm4b:s0+s3] =	stream.linear.scatter [tilespmem:s29], [sflag:$0xB], $0x4000, $0x38;
	[tilespmem:$0x1C100] =	vst v63  }
0x1a2: {  	_ =	swait.ge [sflag:s12], $0x4000  }
0x1a3: {  	[sflag:s12] =	ssyncset.done $0x0  }
0x1a4: {  	[sflag:s12] =	ssyncadd.s32 $0xFFFFC000  }
0x1a5: {  	v3 =	vld [tilespmem:$0xF0];
	_ =	sdelay $0x4  }
0x1a6: {  	v63 =	vshll.u32 v3, $0x3  }
0x1a7: {  	v3 =	vand.u32 $0x7, v3;
	v4 =	vand.u32 $0xFFFFFFC0, v63  }
0x1a8: {  	v3 =	vor.u32 v3, v4  }
0x1a9: {  	v4 =	vperm.xlane v3, v0;
	_ =	sdelay $0x1  }
0x1aa: {  	v4 =	vadd.s32 v1, v4;
	_ =	sdelay $0x4  }
0x1ab: {  	[tilespmem:s10], [sflag:$0x2] =	stream.indirect_vreg.gather [hbm4b:s2+s3], $0x80, v4, vm0, $0xb8;
	[tilespmem:$0x1C100] =	vst v63  }
0x1ac: {  	s22 =	simm.s32 $0x4900;
	v3 =	vperm.xlane v3, v2  }
0x1ad: {  	[tilespmem:s22], [sflag:$0x2] =	stream.indirect_vreg.gather [hbm4b:s5+s3], $0x80, v4, vm0, $0xb8;
	[tilespmem:$0x1C100] =	vst v63  }
0x1ae: {  	s1 =	simm.s32 $0x5100;
	v3 =	vadd.s32 v1, v3  }
0x1af: {  	[tilespmem:s1], [sflag:$0x2] =	stream.indirect_vreg.gather [hbm4b:s6+s3], $0x80, v4, vm0, $0xb8;
	[tilespmem:$0x1C100] =	vst v63  }
0x1b0: {  	s22 =	simm.s32 $0x5900  }
0x1b1: {  	[tilespmem:s22], [sflag:$0x2] =	stream.indirect_vreg.gather [hbm4b:s7+s3], $0x80, v4, vm0, $0xb8;
	[tilespmem:$0x1C100] =	vst v63  }
0x1b2: {  	s1 =	simm.s32 $0x6100  }
0x1b3: {  	[tilespmem:s1], [sflag:$0x2] =	stream.indirect_vreg.gather [hbm4b:s2+s3], $0x80, v3, vm0, $0xb8;
	[tilespmem:$0x1C100] =	vst v63  }
0x1b4: {  	s22 =	simm.s32 $0x6900  }
0x1b5: {  	[tilespmem:s22], [sflag:$0x2] =	stream.indirect_vreg.gather [hbm4b:s5+s3], $0x80, v3, vm0, $0xb8;
	[tilespmem:$0x1C100] =	vst v63  }
0x1b6: {  	s1 =	simm.s32 $0x7100  }
0x1b7: {  	[tilespmem:s1], [sflag:$0x2] =	stream.indirect_vreg.gather [hbm4b:s6+s3], $0x80, v3, vm0, $0xb8;
	[tilespmem:$0x1C100] =	vst v63  }
0x1b8: {  	s22 =	simm.s32 $0x7900  }
0x1b9: {  	[tilespmem:s22], [sflag:$0x2] =	stream.indirect_vreg.gather [hbm4b:s7+s3], $0x80, v3, vm0, $0xb8;
	[tilespmem:$0x1C100] =	vst v63  }
0x1ba: {  	_ =	swait.ge [sflag:s4], $0x4000  }
0x1bb: {  	[sflag:s4] =	ssyncset.done $0x0  }
0x1bc: {  	s0 =	rddreg [dreg:$0xf];
	[sflag:s4] =	ssyncadd.s32 $0xFFFFC000  }
0x1bd: {  	[hbm4b:s0+s3] =	stream.linear.scatter [tilespmem:s20], [sflag:$0xC], $0x4000, $0x38;
	[tilespmem:$0x1C100] =	vst v63  }
0x1be: {  	_ =	swait.ge [sflag:s16], $0x4000  }
0x1bf: {  	[sflag:s16] =	ssyncset.done $0x0  }
0x1c0: {  	s1 =	rddreg [dreg:$0x10];
	[sflag:s16] =	ssyncadd.s32 $0xFFFFC000  }
0x1c1: {  	[hbm4b:s1+s3] =	stream.linear.scatter [tilespmem:s14], [sflag:$0xD], $0x4000, $0x38;
	[tilespmem:$0x1C100] =	vst v63  }
0x1c2: {  	_ =	swait.ge [sflag:s19], $0x4000  }
0x1c3: {  	[sflag:s19] =	ssyncset.done $0x0  }
0x1c4: {  	s4 =	rddreg [dreg:$0x11];
	[sflag:s19] =	ssyncadd.s32 $0xFFFFC000  }
0x1c5: {  	[hbm4b:s4+s3] =	stream.linear.scatter [tilespmem:s11], [sflag:$0xE], $0x4000, $0x38;
	[tilespmem:$0x1C100] =	vst v63  }
0x1c6: {  	_ =	swait.ge [sflag:s17], $0x4000  }
0x1c7: {  	[sflag:s17] =	ssyncset.done $0x0  }
0x1c8: {  	s16 =	rddreg [dreg:$0x12];
	[sflag:s17] =	ssyncadd.s32 $0xFFFFC000  }
0x1c9: {  	[hbm4b:s16+s3] =	stream.linear.scatter [tilespmem:s13], [sflag:$0x8], $0x4000, $0x38;
	[tilespmem:$0x1C100] =	vst v63  }
0x1ca: {  	_ =	swait.ge [sflag:s30], $0x4000  }
0x1cb: {  	[sflag:s30] =	ssyncset.done $0x0  }
0x1cc: {  	s19 =	rddreg [dreg:$0x13];
	[sflag:s30] =	ssyncadd.s32 $0xFFFFC000  }
0x1cd: {  	[hbm4b:s19+s3] =	stream.linear.scatter [tilespmem:s10], [sflag:$0x9], $0x4000, $0x38;
	[tilespmem:$0x1C100] =	vst v63  }
0x1ce: {  	_ =	swait.ge [sflag:s31], $0x4000  }
0x1cf: {  	[sflag:s31] =	ssyncset.done $0x0  }
0x1d0: {  	[sflag:s31] =	ssyncadd.s32 $0xFFFFC000  }
0x1d1: {  	_ =	swait.ge [sflag:s18], $0x4000  }
0x1d2: {  	[sflag:s18] =	ssyncset.done $0x0  }
0x1d3: {  	[sflag:s18] =	ssyncadd.s32 $0xFFFFC000  }
0x1d4: {  	_ =	swait.ge [sflag:s21], $0x4000  }
0x1d5: {  	[sflag:s21] =	ssyncset.done $0x0  }
0x1d6: {  	[sflag:s21] =	ssyncadd.s32 $0xFFFFC000  }
0x1d7: {  	_ =	swait.ge [sflag:s23], $0x4000  }
0x1d8: {  	[sflag:s23] =	ssyncset.done $0x0  }
0x1d9: {  	[sflag:s23] =	ssyncadd.s32 $0xFFFFC000  }
0x1da: {  	_ =	swait.ge [sflag:s24], $0x4000  }
0x1db: {  	[sflag:s24] =	ssyncset.done $0x0  }
0x1dc: {  	[sflag:s24] =	ssyncadd.s32 $0xFFFFC000  }
0x1dd: {  	p0 =	sne.s32 s8, $0x1;
	_ =	swait.ge [sflag:s9], $0x4000  }
.Ltmp0:
0x1de: {  	[sflag:s9] =	ssyncset.done $0x0;
	(pc) =	sbr.rel @p0 .LBB2_1-.Ltmp0, $4  }
0x1df: {  	[sflag:s9] =	ssyncadd.s32 $0xFFFFC000  }
0x1e0: {  	_ =	swait.ge [sflag:s12], $0x4000  }
0x1e1: {  	[sflag:s12] =	ssyncset.done $0x0  }
0x1e2: {  	s8 =	sadd.s32 $0xFFFFFFFF, s8;
	[sflag:s12] =	ssyncadd.s32 $0xFFFFC000  }
0x1e3: {  	_ =	sfence.sel $0x180000  }
0x1e4: {  	[bflag:$0x0] =	sbarrier.arrive $0xFFFF  }
0x1e5: {  	_ =	strace $0x90000047  }
0x1e6: {  	s0 =	stileid.u32;
	[bflag:$0x2] =	sbarrier.arrive $0xFFFF  }
0x1e7: {  	p0 =	sne.s32 s0, $0x0;
	s0 =	rddreg [dreg:$0x3]  }
0x1e8: {  	s0 =	sadd.s32 @!p0 $0x100000, s0  }
0x1e9: {  	[sflag:s0] =	ssyncadd.tile.s32 @!p0 $0x1;
	_ =	shalt  }
.Lfunc_end2:
_tile_overlayer_lowered:
.L_overlay_start_2:
0x1ea: {  	(tag) =	ssettag $0x2  }
0x1eb: {  	s0 =	rddreg [dreg:$0x0];
	s2 =	stileid.u32  }
0x1ec: {  	s1 =	rddreg [dreg:$0x1];
	p0 =	sne.s32 s2, $0x0  }
0x1ed: {  	s3 =	rddreg [dreg:$0x2];
	[bflag:$0x3] =	sbarrier.arrive $0xFFFF;
	s2 =	simm.s32 @!p0 $0x1C0F  }
0x1ee: {  	[timem:s3], [sflag:s2] =	dma.local @!p0 [hbm:s0], s1  }
0x1ef: {  	s0 =	simm.s32 @!p0 $0xF  }
0x1f0: {  	_ =	swait.ge @!p0 [sflag:s0], s1  }
0x1f1: {  	s1 =	ssub.s32 @!p0 $0x0, s1;
	[sflag:s0] =	ssyncset.done @!p0 $0x0  }
0x1f2: {  	[sflag:s0] =	ssyncadd.s32 @!p0 s1  }
0x1f3: {  	[bflag:$0x3] =	sbarrier.arrive $0xFFFF  }
0x1f4: {  	_ =	shalt  }

</sc_bundles>
